<compile_context>
chip_gen: v7x
topology: tpu7x:2x2x1
jax: 0.10.2.dev20260603
libtpu: 0.0.44.dev20260713+nightly
codegen_flags: <defaults>
</compile_context>

<pallas_src>
import functools

import jax
import jax.numpy as jnp
from jax import lax
from jax.experimental import pallas as pl
from jax.experimental.pallas import tpu as pltpu
from jax.experimental.pallas import tpu_sc as plsc

_V = 1000000
_B = 4096
_L = 200
_D = 64
_C = 20
_NC = 2
_NS = 16
_NW = _NC * _NS
_SPW = _B // _NW
_H0 = 96
_H1 = _L - _H0


def _make_gather_pool():
    mesh = plsc.VectorSubcoreMesh(
        core_axis_name="c", subcore_axis_name="s",
        num_cores=_NC, num_subcores=_NS,
    )

    @functools.partial(
        pl.kernel,
        out_type=jax.ShapeDtypeStruct((_B, _D), jnp.float32),
        mesh=mesh,
        name="gather_pool",
        compiler_params=pltpu.CompilerParams(use_tc_tiling_on_sc=False),
        scratch_types=[
            pltpu.VMEM((_SPW, _L), jnp.int32),
            pltpu.VMEM((4, _L, _D), jnp.float32),
            pltpu.VMEM((_SPW, _D), jnp.float32),
            pltpu.SemaphoreType.DMA,
            pltpu.SemaphoreType.DMA,
            pltpu.SemaphoreType.DMA,
            pltpu.SemaphoreType.DMA,
        ],
    )
    def gather_pool(x_hbm, table_hbm, out_hbm,
                    idx_v, rows_v, pooled_v, s0, s1, s2, s3):
        wid = lax.axis_index("s") * _NC + lax.axis_index("c")
        sems = (s0, s1, s2, s3)
        pltpu.sync_copy(x_hbm.at[pl.ds(wid * _SPW, _SPW)], idx_v)

        def fire(i, p):
            @pl.when(i < _SPW)
            def _():
                pltpu.async_copy(table_hbm.at[idx_v.at[i, pl.ds(0, _H0)]],
                                 rows_v.at[p, pl.ds(0, _H0)], sems[p])
                pltpu.async_copy(table_hbm.at[idx_v.at[i, pl.ds(_H0, _H1)]],
                                 rows_v.at[p, pl.ds(_H0, _H1)], sems[p])

        def wait(i, p):
            pltpu.make_async_copy(table_hbm.at[idx_v.at[i, pl.ds(0, _H0)]],
                                  rows_v.at[p, pl.ds(0, _H0)], sems[p]).wait()
            pltpu.make_async_copy(table_hbm.at[idx_v.at[i, pl.ds(_H0, _H1)]],
                                  rows_v.at[p, pl.ds(_H0, _H1)], sems[p]).wait()

        def consume(i, p):
            def body(l, accs):
                return tuple(a + rows_v[p, l, pl.ds(q * 16, 16)]
                             for q, a in enumerate(accs))
            accs = tuple(jnp.zeros((16,), jnp.float32) for _ in range(4))
            accs = lax.fori_loop(0, _L, body, accs, unroll=8)
            for q in range(4):
                pooled_v[i, pl.ds(q * 16, 16)] = accs[q]

        for p in range(4):
            fire(p, p)

        def step(k, carry):
            for p in range(4):
                i = 4 * k + p
                wait(i, p)
                consume(i, p)
                fire(i + 4, p)
            return carry

        lax.fori_loop(0, _SPW // 4, step, 0)
        pltpu.sync_copy(pooled_v, out_hbm.at[pl.ds(wid * _SPW, _SPW)])

    return gather_pool


_gather_pool = _make_gather_pool()


def _classifier_kernel(p_ref, w_ref, b_ref, o_ref):
    o_ref[...] = (
        jnp.dot(p_ref[...], w_ref[...], preferred_element_type=jnp.float32)
        + b_ref[...]
    )


def _classifier(pooled, W, b2d):
    return pl.pallas_call(
        _classifier_kernel,
        out_shape=jax.ShapeDtypeStruct((_B, _C), jnp.float32),
    )(pooled, W, b2d)


@jax.jit
def kernel(x, table, W, b):
    table2 = jnp.reshape(table, (_V // 2, 2 * _D))
    table2 = jax.lax.optimization_barrier(table2)
    table3 = jnp.reshape(table2, (_V, _D))
    pooled = _gather_pool(x.astype(jnp.int32), table3)
    return _classifier(pooled, W, b.reshape(1, _C))

# --- scband reference (transcript-rebuilt; emitter-appended) ---
"""Pipeline reference for scband-text-classifier-73993696575755 (READ-ONLY COPY).

The authoritative reference and input builder live on the scoring server;
editing this copy changes nothing except your own understanding.
"""

import jax, jax.numpy as jnp
import numpy as np

VOCAB = 1000000
DIM = 64
B = 4096
L = 200
NUM_CLASSES = 20
PAD_IDX = 0


def setup_inputs(seed: int = 0) -> dict:
    key = jax.random.key(seed)
    k1, k2, k3 = jax.random.split(key, 3)
    x = jax.random.randint(k1, (B, L), 0, VOCAB)
    # Embedding table; padding_idx row is zeroed like nn.Embedding(padding_idx=0)
    table = jax.random.normal(k2, (VOCAB, DIM), dtype=jnp.float32) * 0.02
    table = table.at[PAD_IDX].set(0.0)
    kw, kb = jax.random.split(k3)
    W = jax.random.normal(kw, (DIM, NUM_CLASSES), dtype=jnp.float32) * (1.0 / np.sqrt(DIM))
    b = jax.random.uniform(kb, (NUM_CLASSES,), dtype=jnp.float32, minval=-1.0 / np.sqrt(DIM), maxval=1.0 / np.sqrt(DIM))
    return {"x": x, "table": table, "W": W, "b": b}


def reference(x, table, W, b):
    # x = self.embedding(x)  -> gather rows from the table
    emb = jnp.take(table, x, axis=0)          # [B, L, DIM]
    # x = torch.sum(x, dim=1)
    pooled = jnp.sum(emb, axis=1)             # [B, DIM]
    # x = self.classifier(x)
    logits = pooled @ W + b                   # [B, NUM_CLASSES]
    return logits

if __name__ == "__main__":
    import jax
    _d = setup_inputs()
    print(jax.jit(kernel)(*tuple(_d.values())))

</pallas_src>

<mosaic_0001>
#map = affine_map<(d0, d1) -> (0, 0)>
module attributes {stable_mosaic.version = 14 : i64} {
  func.func @gather_pool(%arg0: i32, %arg1: i32, %arg2: memref<4096x200xi32, #tpu.memory_space<hbm>>, %arg3: memref<1000000x64xf32, #tpu.memory_space<hbm>>, %arg4: memref<4096x64xf32, #tpu.memory_space<hbm>>, %arg5: memref<128x200xi32, #tpu.memory_space<vmem>>, %arg6: memref<4x200x64xf32, #tpu.memory_space<vmem>>, %arg7: memref<128x64xf32, #tpu.memory_space<vmem>>, %arg8: memref<!tpu.dma_semaphore, #tpu.memory_space<semaphore_mem>>, %arg9: memref<!tpu.dma_semaphore, #tpu.memory_space<semaphore_mem>>, %arg10: memref<!tpu.dma_semaphore, #tpu.memory_space<semaphore_mem>>, %arg11: memref<!tpu.dma_semaphore, #tpu.memory_space<semaphore_mem>>) attributes {dimension_semantics = [#tpu.dimension_semantics<core_parallel>, #tpu.dimension_semantics<subcore_parallel>], iteration_bounds = array<i64: 2, 16>, scalar_prefetch = 0 : i64, scratch_operands = 7 : i64, tpu.core_type = #tpu.core_type<sc_vector_subcore>, window_params = [{transform_indices = #map}, {transform_indices = #map}, {transform_indices = #map}]} {
    %mul3A = arith.constant 2 : i32
    %mul3A_0 = arith.muli %arg1, %mul3A : i32
    %add3A = arith.addi %mul3A_0, %arg0 : i32
    %mul3A_1 = arith.constant 128 : i32
    %mul3A_2 = arith.muli %add3A, %mul3A_1 : i32
    "tpu.region"() ({
      %run_scoped3A = tpu.sem_alloc : memref<!tpu.dma_semaphore, #tpu.memory_space<semaphore_mem>>
      %dma_start3A_105 = arith.constant 0 : i32
      %dma_start3A_106 = tpu.memref_slice %arg2[%mul3A_2, %dma_start3A_105] : memref<4096x200xi32, #tpu.memory_space<hbm>> -> memref<128x200xi32, #tpu.memory_space<hbm>>
      %dma_start3A_107 = arith.constant 0 : i32
      %dma_start3A_108 = tpu.memref_slice %arg2[%mul3A_2, %dma_start3A_107] : memref<4096x200xi32, #tpu.memory_space<hbm>> -> memref<128x200xi32, #tpu.memory_space<hbm>>
      tpu.enqueue_dma source(%dma_start3A_108 : memref<128x200xi32, #tpu.memory_space<hbm>>) target(%arg5 : memref<128x200xi32, #tpu.memory_space<vmem>>) target_semaphore(%run_scoped3A : memref<!tpu.dma_semaphore, #tpu.memory_space<semaphore_mem>>)
      %dma_wait3A = arith.constant 0 : i32
      %dma_wait3A_109 = tpu.memref_slice %arg2[%mul3A_2, %dma_wait3A] : memref<4096x200xi32, #tpu.memory_space<hbm>> -> memref<128x200xi32, #tpu.memory_space<hbm>>
      %dma_wait3A_110 = arith.constant 0 : i32
      %dma_wait3A_111 = tpu.memref_slice %arg2[%mul3A_2, %dma_wait3A_110] : memref<4096x200xi32, #tpu.memory_space<hbm>> -> memref<128x200xi32, #tpu.memory_space<hbm>>
      tpu.wait_dma2 semaphore(%run_scoped3A : memref<!tpu.dma_semaphore, #tpu.memory_space<semaphore_mem>>) src(%dma_wait3A_111 : memref<128x200xi32, #tpu.memory_space<hbm>>) dst(%arg5 : memref<128x200xi32, #tpu.memory_space<vmem>>)
      tpu.yield
    }) : () -> ()
    %dma_start3A = arith.constant 0 : i32
    %dma_start3A_3 = arith.constant 0 : i32
    %dma_start3A_4 = arith.constant 0 : i32
    %dma_start3A_5 = arith.constant 0 : i32
    %dma_start3A_6 = tpu.memref_slice %arg6[%dma_start3A_3, %dma_start3A_4, %dma_start3A_5] : memref<4x200x64xf32, #tpu.memory_space<vmem>> -> memref<1x96x64xf32, #tpu.memory_space<vmem>>
    %dma_start3A_7 = tpu.memref_squeeze %dma_start3A_6 : memref<1x96x64xf32, #tpu.memory_space<vmem>> -> memref<96x64xf32, #tpu.memory_space<vmem>>
    %dma_start3A_8 = arith.constant 0 : i32
    %dma_start3A_9 = tpu.memref_slice %arg5[%dma_start3A, %dma_start3A_8] : memref<128x200xi32, #tpu.memory_space<vmem>> -> memref<1x96xi32, #tpu.memory_space<vmem>>
    %dma_start3A_10 = tpu.memref_squeeze %dma_start3A_9 : memref<1x96xi32, #tpu.memory_space<vmem>> -> memref<96xi32, #tpu.memory_space<vmem>>
    %dma_start3A_11 = arith.constant 0 : i32
    %dma_start3A_12 = arith.constant 0 : i32
    %dma_start3A_13 = tpu.memref_slice %arg3[%dma_start3A_11, %dma_start3A_12] : memref<1000000x64xf32, #tpu.memory_space<hbm>> -> memref<1000000x64xf32, #tpu.memory_space<hbm>>
    tpu.enqueue_indirect_dma source(%dma_start3A_13 : memref<1000000x64xf32, #tpu.memory_space<hbm>>) target(%dma_start3A_7 : memref<96x64xf32, #tpu.memory_space<vmem>>) offsets(%dma_start3A_10 : memref<96xi32, #tpu.memory_space<vmem>>) semaphore(%arg8 : memref<!tpu.dma_semaphore, #tpu.memory_space<semaphore_mem>>)
    %dma_start3A_14 = arith.constant 0 : i32
    %dma_start3A_15 = arith.constant 0 : i32
    %dma_start3A_16 = arith.constant 96 : i32
    %dma_start3A_17 = arith.constant 0 : i32
    %dma_start3A_18 = tpu.memref_slice %arg6[%dma_start3A_15, %dma_start3A_16, %dma_start3A_17] : memref<4x200x64xf32, #tpu.memory_space<vmem>> -> memref<1x104x64xf32, #tpu.memory_space<vmem>>
    %dma_start3A_19 = tpu.memref_squeeze %dma_start3A_18 : memref<1x104x64xf32, #tpu.memory_space<vmem>> -> memref<104x64xf32, #tpu.memory_space<vmem>>
    %dma_start3A_20 = arith.constant 96 : i32
    %dma_start3A_21 = tpu.memref_slice %arg5[%dma_start3A_14, %dma_start3A_20] : memref<128x200xi32, #tpu.memory_space<vmem>> -> memref<1x104xi32, #tpu.memory_space<vmem>>
    %dma_start3A_22 = tpu.memref_squeeze %dma_start3A_21 : memref<1x104xi32, #tpu.memory_space<vmem>> -> memref<104xi32, #tpu.memory_space<vmem>>
    %dma_start3A_23 = arith.constant 0 : i32
    %dma_start3A_24 = arith.constant 0 : i32
    %dma_start3A_25 = tpu.memref_slice %arg3[%dma_start3A_23, %dma_start3A_24] : memref<1000000x64xf32, #tpu.memory_space<hbm>> -> memref<1000000x64xf32, #tpu.memory_space<hbm>>
    tpu.enqueue_indirect_dma source(%dma_start3A_25 : memref<1000000x64xf32, #tpu.memory_space<hbm>>) target(%dma_start3A_19 : memref<104x64xf32, #tpu.memory_space<vmem>>) offsets(%dma_start3A_22 : memref<104xi32, #tpu.memory_space<vmem>>) semaphore(%arg8 : memref<!tpu.dma_semaphore, #tpu.memory_space<semaphore_mem>>)
    %dma_start3A_26 = arith.constant 1 : i32
    %dma_start3A_27 = arith.constant 1 : i32
    %dma_start3A_28 = arith.constant 0 : i32
    %dma_start3A_29 = arith.constant 0 : i32
    %dma_start3A_30 = tpu.memref_slice %arg6[%dma_start3A_27, %dma_start3A_28, %dma_start3A_29] : memref<4x200x64xf32, #tpu.memory_space<vmem>> -> memref<1x96x64xf32, #tpu.memory_space<vmem>>
    %dma_start3A_31 = tpu.memref_squeeze %dma_start3A_30 : memref<1x96x64xf32, #tpu.memory_space<vmem>> -> memref<96x64xf32, #tpu.memory_space<vmem>>
    %dma_start3A_32 = arith.constant 0 : i32
    %dma_start3A_33 = tpu.memref_slice %arg5[%dma_start3A_26, %dma_start3A_32] : memref<128x200xi32, #tpu.memory_space<vmem>> -> memref<1x96xi32, #tpu.memory_space<vmem>>
    %dma_start3A_34 = tpu.memref_squeeze %dma_start3A_33 : memref<1x96xi32, #tpu.memory_space<vmem>> -> memref<96xi32, #tpu.memory_space<vmem>>
    %dma_start3A_35 = arith.constant 0 : i32
    %dma_start3A_36 = arith.constant 0 : i32
    %dma_start3A_37 = tpu.memref_slice %arg3[%dma_start3A_35, %dma_start3A_36] : memref<1000000x64xf32, #tpu.memory_space<hbm>> -> memref<1000000x64xf32, #tpu.memory_space<hbm>>
    tpu.enqueue_indirect_dma source(%dma_start3A_37 : memref<1000000x64xf32, #tpu.memory_space<hbm>>) target(%dma_start3A_31 : memref<96x64xf32, #tpu.memory_space<vmem>>) offsets(%dma_start3A_34 : memref<96xi32, #tpu.memory_space<vmem>>) semaphore(%arg9 : memref<!tpu.dma_semaphore, #tpu.memory_space<semaphore_mem>>)
    %dma_start3A_38 = arith.constant 1 : i32
    %dma_start3A_39 = arith.constant 1 : i32
    %dma_start3A_40 = arith.constant 96 : i32
    %dma_start3A_41 = arith.constant 0 : i32
    %dma_start3A_42 = tpu.memref_slice %arg6[%dma_start3A_39, %dma_start3A_40, %dma_start3A_41] : memref<4x200x64xf32, #tpu.memory_space<vmem>> -> memref<1x104x64xf32, #tpu.memory_space<vmem>>
    %dma_start3A_43 = tpu.memref_squeeze %dma_start3A_42 : memref<1x104x64xf32, #tpu.memory_space<vmem>> -> memref<104x64xf32, #tpu.memory_space<vmem>>
    %dma_start3A_44 = arith.constant 96 : i32
    %dma_start3A_45 = tpu.memref_slice %arg5[%dma_start3A_38, %dma_start3A_44] : memref<128x200xi32, #tpu.memory_space<vmem>> -> memref<1x104xi32, #tpu.memory_space<vmem>>
    %dma_start3A_46 = tpu.memref_squeeze %dma_start3A_45 : memref<1x104xi32, #tpu.memory_space<vmem>> -> memref<104xi32, #tpu.memory_space<vmem>>
    %dma_start3A_47 = arith.constant 0 : i32
    %dma_start3A_48 = arith.constant 0 : i32
    %dma_start3A_49 = tpu.memref_slice %arg3[%dma_start3A_47, %dma_start3A_48] : memref<1000000x64xf32, #tpu.memory_space<hbm>> -> memref<1000000x64xf32, #tpu.memory_space<hbm>>
    tpu.enqueue_indirect_dma source(%dma_start3A_49 : memref<1000000x64xf32, #tpu.memory_space<hbm>>) target(%dma_start3A_43 : memref<104x64xf32, #tpu.memory_space<vmem>>) offsets(%dma_start3A_46 : memref<104xi32, #tpu.memory_space<vmem>>) semaphore(%arg9 : memref<!tpu.dma_semaphore, #tpu.memory_space<semaphore_mem>>)
    %dma_start3A_50 = arith.constant 2 : i32
    %dma_start3A_51 = arith.constant 2 : i32
    %dma_start3A_52 = arith.constant 0 : i32
    %dma_start3A_53 = arith.constant 0 : i32
    %dma_start3A_54 = tpu.memref_slice %arg6[%dma_start3A_51, %dma_start3A_52, %dma_start3A_53] : memref<4x200x64xf32, #tpu.memory_space<vmem>> -> memref<1x96x64xf32, #tpu.memory_space<vmem>>
    %dma_start3A_55 = tpu.memref_squeeze %dma_start3A_54 : memref<1x96x64xf32, #tpu.memory_space<vmem>> -> memref<96x64xf32, #tpu.memory_space<vmem>>
    %dma_start3A_56 = arith.constant 0 : i32
    %dma_start3A_57 = tpu.memref_slice %arg5[%dma_start3A_50, %dma_start3A_56] : memref<128x200xi32, #tpu.memory_space<vmem>> -> memref<1x96xi32, #tpu.memory_space<vmem>>
    %dma_start3A_58 = tpu.memref_squeeze %dma_start3A_57 : memref<1x96xi32, #tpu.memory_space<vmem>> -> memref<96xi32, #tpu.memory_space<vmem>>
    %dma_start3A_59 = arith.constant 0 : i32
    %dma_start3A_60 = arith.constant 0 : i32
    %dma_start3A_61 = tpu.memref_slice %arg3[%dma_start3A_59, %dma_start3A_60] : memref<1000000x64xf32, #tpu.memory_space<hbm>> -> memref<1000000x64xf32, #tpu.memory_space<hbm>>
    tpu.enqueue_indirect_dma source(%dma_start3A_61 : memref<1000000x64xf32, #tpu.memory_space<hbm>>) target(%dma_start3A_55 : memref<96x64xf32, #tpu.memory_space<vmem>>) offsets(%dma_start3A_58 : memref<96xi32, #tpu.memory_space<vmem>>) semaphore(%arg10 : memref<!tpu.dma_semaphore, #tpu.memory_space<semaphore_mem>>)
    %dma_start3A_62 = arith.constant 2 : i32
    %dma_start3A_63 = arith.constant 2 : i32
    %dma_start3A_64 = arith.constant 96 : i32
    %dma_start3A_65 = arith.constant 0 : i32
    %dma_start3A_66 = tpu.memref_slice %arg6[%dma_start3A_63, %dma_start3A_64, %dma_start3A_65] : memref<4x200x64xf32, #tpu.memory_space<vmem>> -> memref<1x104x64xf32, #tpu.memory_space<vmem>>
    %dma_start3A_67 = tpu.memref_squeeze %dma_start3A_66 : memref<1x104x64xf32, #tpu.memory_space<vmem>> -> memref<104x64xf32, #tpu.memory_space<vmem>>
    %dma_start3A_68 = arith.constant 96 : i32
    %dma_start3A_69 = tpu.memref_slice %arg5[%dma_start3A_62, %dma_start3A_68] : memref<128x200xi32, #tpu.memory_space<vmem>> -> memref<1x104xi32, #tpu.memory_space<vmem>>
    %dma_start3A_70 = tpu.memref_squeeze %dma_start3A_69 : memref<1x104xi32, #tpu.memory_space<vmem>> -> memref<104xi32, #tpu.memory_space<vmem>>
    %dma_start3A_71 = arith.constant 0 : i32
    %dma_start3A_72 = arith.constant 0 : i32
    %dma_start3A_73 = tpu.memref_slice %arg3[%dma_start3A_71, %dma_start3A_72] : memref<1000000x64xf32, #tpu.memory_space<hbm>> -> memref<1000000x64xf32, #tpu.memory_space<hbm>>
    tpu.enqueue_indirect_dma source(%dma_start3A_73 : memref<1000000x64xf32, #tpu.memory_space<hbm>>) target(%dma_start3A_67 : memref<104x64xf32, #tpu.memory_space<vmem>>) offsets(%dma_start3A_70 : memref<104xi32, #tpu.memory_space<vmem>>) semaphore(%arg10 : memref<!tpu.dma_semaphore, #tpu.memory_space<semaphore_mem>>)
    %dma_start3A_74 = arith.constant 3 : i32
    %dma_start3A_75 = arith.constant 3 : i32
    %dma_start3A_76 = arith.constant 0 : i32
    %dma_start3A_77 = arith.constant 0 : i32
    %dma_start3A_78 = tpu.memref_slice %arg6[%dma_start3A_75, %dma_start3A_76, %dma_start3A_77] : memref<4x200x64xf32, #tpu.memory_space<vmem>> -> memref<1x96x64xf32, #tpu.memory_space<vmem>>
    %dma_start3A_79 = tpu.memref_squeeze %dma_start3A_78 : memref<1x96x64xf32, #tpu.memory_space<vmem>> -> memref<96x64xf32, #tpu.memory_space<vmem>>
    %dma_start3A_80 = arith.constant 0 : i32
    %dma_start3A_81 = tpu.memref_slice %arg5[%dma_start3A_74, %dma_start3A_80] : memref<128x200xi32, #tpu.memory_space<vmem>> -> memref<1x96xi32, #tpu.memory_space<vmem>>
    %dma_start3A_82 = tpu.memref_squeeze %dma_start3A_81 : memref<1x96xi32, #tpu.memory_space<vmem>> -> memref<96xi32, #tpu.memory_space<vmem>>
    %dma_start3A_83 = arith.constant 0 : i32
    %dma_start3A_84 = arith.constant 0 : i32
    %dma_start3A_85 = tpu.memref_slice %arg3[%dma_start3A_83, %dma_start3A_84] : memref<1000000x64xf32, #tpu.memory_space<hbm>> -> memref<1000000x64xf32, #tpu.memory_space<hbm>>
    tpu.enqueue_indirect_dma source(%dma_start3A_85 : memref<1000000x64xf32, #tpu.memory_space<hbm>>) target(%dma_start3A_79 : memref<96x64xf32, #tpu.memory_space<vmem>>) offsets(%dma_start3A_82 : memref<96xi32, #tpu.memory_space<vmem>>) semaphore(%arg11 : memref<!tpu.dma_semaphore, #tpu.memory_space<semaphore_mem>>)
    %dma_start3A_86 = arith.constant 3 : i32
    %dma_start3A_87 = arith.constant 3 : i32
    %dma_start3A_88 = arith.constant 96 : i32
    %dma_start3A_89 = arith.constant 0 : i32
    %dma_start3A_90 = tpu.memref_slice %arg6[%dma_start3A_87, %dma_start3A_88, %dma_start3A_89] : memref<4x200x64xf32, #tpu.memory_space<vmem>> -> memref<1x104x64xf32, #tpu.memory_space<vmem>>
    %dma_start3A_91 = tpu.memref_squeeze %dma_start3A_90 : memref<1x104x64xf32, #tpu.memory_space<vmem>> -> memref<104x64xf32, #tpu.memory_space<vmem>>
    %dma_start3A_92 = arith.constant 96 : i32
    %dma_start3A_93 = tpu.memref_slice %arg5[%dma_start3A_86, %dma_start3A_92] : memref<128x200xi32, #tpu.memory_space<vmem>> -> memref<1x104xi32, #tpu.memory_space<vmem>>
    %dma_start3A_94 = tpu.memref_squeeze %dma_start3A_93 : memref<1x104xi32, #tpu.memory_space<vmem>> -> memref<104xi32, #tpu.memory_space<vmem>>
    %dma_start3A_95 = arith.constant 0 : i32
    %dma_start3A_96 = arith.constant 0 : i32
    %dma_start3A_97 = tpu.memref_slice %arg3[%dma_start3A_95, %dma_start3A_96] : memref<1000000x64xf32, #tpu.memory_space<hbm>> -> memref<1000000x64xf32, #tpu.memory_space<hbm>>
    tpu.enqueue_indirect_dma source(%dma_start3A_97 : memref<1000000x64xf32, #tpu.memory_space<hbm>>) target(%dma_start3A_91 : memref<104x64xf32, #tpu.memory_space<vmem>>) offsets(%dma_start3A_94 : memref<104xi32, #tpu.memory_space<vmem>>) semaphore(%arg11 : memref<!tpu.dma_semaphore, #tpu.memory_space<semaphore_mem>>)
    %scan3A = arith.constant 0 : i32
    %scan3A_98 = arith.constant 0 : i32
    %scan3A_99 = arith.constant 32 : i32
    %scan3A_100 = arith.addi %scan3A_98, %scan3A_99 : i32
    %scan3A_101 = arith.constant 1 : i32
    scf.for %scan3A_105 = %scan3A_98 to %scan3A_100 step %scan3A_101  : i32 {
      %mul3A_106 = arith.constant 4 : i32
      %mul3A_107 = arith.muli %mul3A_106, %scan3A_105 : i32
      %add3A_108 = arith.constant 0 : i32
      %add3A_109 = arith.addi %mul3A_107, %add3A_108 : i32
      %dma_wait3A = arith.constant 0 : i32
      %dma_wait3A_110 = arith.constant 0 : i32
      %dma_wait3A_111 = arith.constant 0 : i32
      %dma_wait3A_112 = tpu.memref_slice %arg6[%dma_wait3A, %dma_wait3A_110, %dma_wait3A_111] : memref<4x200x64xf32, #tpu.memory_space<vmem>> -> memref<1x96x64xf32, #tpu.memory_space<vmem>>
      %dma_wait3A_113 = tpu.memref_squeeze %dma_wait3A_112 : memref<1x96x64xf32, #tpu.memory_space<vmem>> -> memref<96x64xf32, #tpu.memory_space<vmem>>
      %dma_wait3A_114 = arith.constant 0 : i32
      %dma_wait3A_115 = tpu.memref_slice %arg5[%add3A_109, %dma_wait3A_114] : memref<128x200xi32, #tpu.memory_space<vmem>> -> memref<1x96xi32, #tpu.memory_space<vmem>>
      %dma_wait3A_116 = tpu.memref_squeeze %dma_wait3A_115 : memref<1x96xi32, #tpu.memory_space<vmem>> -> memref<96xi32, #tpu.memory_space<vmem>>
      %dma_wait3A_117 = arith.constant 0 : i32
      %dma_wait3A_118 = arith.constant 0 : i32
      %dma_wait3A_119 = tpu.memref_slice %arg3[%dma_wait3A_117, %dma_wait3A_118] : memref<1000000x64xf32, #tpu.memory_space<hbm>> -> memref<1000000x64xf32, #tpu.memory_space<hbm>>
      tpu.wait_indirect_dma semaphore(%arg8 : memref<!tpu.dma_semaphore, #tpu.memory_space<semaphore_mem>>) src(%dma_wait3A_119 : memref<1000000x64xf32, #tpu.memory_space<hbm>>) dst(%dma_wait3A_113 : memref<96x64xf32, #tpu.memory_space<vmem>>)
      %dma_wait3A_120 = arith.constant 0 : i32
      %dma_wait3A_121 = arith.constant 96 : i32
      %dma_wait3A_122 = arith.constant 0 : i32
      %dma_wait3A_123 = tpu.memref_slice %arg6[%dma_wait3A_120, %dma_wait3A_121, %dma_wait3A_122] : memref<4x200x64xf32, #tpu.memory_space<vmem>> -> memref<1x104x64xf32, #tpu.memory_space<vmem>>
      %dma_wait3A_124 = tpu.memref_squeeze %dma_wait3A_123 : memref<1x104x64xf32, #tpu.memory_space<vmem>> -> memref<104x64xf32, #tpu.memory_space<vmem>>
      %dma_wait3A_125 = arith.constant 96 : i32
      %dma_wait3A_126 = tpu.memref_slice %arg5[%add3A_109, %dma_wait3A_125] : memref<128x200xi32, #tpu.memory_space<vmem>> -> memref<1x104xi32, #tpu.memory_space<vmem>>
      %dma_wait3A_127 = tpu.memref_squeeze %dma_wait3A_126 : memref<1x104xi32, #tpu.memory_space<vmem>> -> memref<104xi32, #tpu.memory_space<vmem>>
      %dma_wait3A_128 = arith.constant 0 : i32
      %dma_wait3A_129 = arith.constant 0 : i32
      %dma_wait3A_130 = tpu.memref_slice %arg3[%dma_wait3A_128, %dma_wait3A_129] : memref<1000000x64xf32, #tpu.memory_space<hbm>> -> memref<1000000x64xf32, #tpu.memory_space<hbm>>
      tpu.wait_indirect_dma semaphore(%arg8 : memref<!tpu.dma_semaphore, #tpu.memory_space<semaphore_mem>>) src(%dma_wait3A_130 : memref<1000000x64xf32, #tpu.memory_space<hbm>>) dst(%dma_wait3A_124 : memref<104x64xf32, #tpu.memory_space<vmem>>)
      %broadcast_in_dim3A = arith.constant 0.000000e+00 : f32
      %broadcast_in_dim3A_131 = vector.broadcast %broadcast_in_dim3A : f32 to vector<16xf32>
      %broadcast_in_dim3A_132 = arith.constant 0.000000e+00 : f32
      %broadcast_in_dim3A_133 = vector.broadcast %broadcast_in_dim3A_132 : f32 to vector<16xf32>
      %broadcast_in_dim3A_134 = arith.constant 0.000000e+00 : f32
      %broadcast_in_dim3A_135 = vector.broadcast %broadcast_in_dim3A_134 : f32 to vector<16xf32>
      %broadcast_in_dim3A_136 = arith.constant 0.000000e+00 : f32
      %broadcast_in_dim3A_137 = vector.broadcast %broadcast_in_dim3A_136 : f32 to vector<16xf32>
      %scan3A_138 = arith.constant 0 : i32
      %scan3A_139 = arith.constant 200 : i32
      %scan3A_140 = arith.addi %scan3A_138, %scan3A_139 : i32
      %scan3A_141 = arith.constant 8 : i32
      %scan3A_142:4 = scf.for %scan3A_368 = %scan3A_138 to %scan3A_140 step %scan3A_141 iter_args(%scan3A_369 = %broadcast_in_dim3A_131, %scan3A_370 = %broadcast_in_dim3A_133, %scan3A_371 = %broadcast_in_dim3A_135, %scan3A_372 = %broadcast_in_dim3A_137) -> (vector<16xf32>, vector<16xf32>, vector<16xf32>, vector<16xf32>)  : i32 {
        %get3A = arith.constant 0 : i32
        %get3A_373 = arith.index_cast %get3A : i32 to index
        %get3A_374 = arith.index_cast %scan3A_368 : i32 to index
        %get3A_375 = arith.constant 0 : index
        %get3A_376 = tpu.vector_load %arg6[%get3A_373, %get3A_374, %get3A_375] {strides = array<i32>} : memref<4x200x64xf32, #tpu.memory_space<vmem>>, vector<1x1x16xf32>,
        %get3A_377 = vector.shape_cast %get3A_376 : vector<1x1x16xf32> to vector<16xf32>
        %add3A_378 = arith.addf %scan3A_369, %get3A_377 : vector<16xf32>
        %get3A_379 = arith.constant 0 : i32
        %get3A_380 = arith.index_cast %get3A_379 : i32 to index
        %get3A_381 = arith.index_cast %scan3A_368 : i32 to index
        %get3A_382 = arith.constant 16 : index
        %get3A_383 = tpu.vector_load %arg6[%get3A_380, %get3A_381, %get3A_382] {strides = array<i32>} : memref<4x200x64xf32, #tpu.memory_space<vmem>>, vector<1x1x16xf32>,
        %get3A_384 = vector.shape_cast %get3A_383 : vector<1x1x16xf32> to vector<16xf32>
        %add3A_385 = arith.addf %scan3A_370, %get3A_384 : vector<16xf32>
        %get3A_386 = arith.constant 0 : i32
        %get3A_387 = arith.index_cast %get3A_386 : i32 to index
        %get3A_388 = arith.index_cast %scan3A_368 : i32 to index
        %get3A_389 = arith.constant 32 : index
        %get3A_390 = tpu.vector_load %arg6[%get3A_387, %get3A_388, %get3A_389] {strides = array<i32>} : memref<4x200x64xf32, #tpu.memory_space<vmem>>, vector<1x1x16xf32>,
        %get3A_391 = vector.shape_cast %get3A_390 : vector<1x1x16xf32> to vector<16xf32>
        %add3A_392 = arith.addf %scan3A_371, %get3A_391 : vector<16xf32>
        %get3A_393 = arith.constant 0 : i32
        %get3A_394 = arith.index_cast %get3A_393 : i32 to index
        %get3A_395 = arith.index_cast %scan3A_368 : i32 to index
        %get3A_396 = arith.constant 48 : index
        %get3A_397 = tpu.vector_load %arg6[%get3A_394, %get3A_395, %get3A_396] {strides = array<i32>} : memref<4x200x64xf32, #tpu.memory_space<vmem>>, vector<1x1x16xf32>,
        %get3A_398 = vector.shape_cast %get3A_397 : vector<1x1x16xf32> to vector<16xf32>
        %add3A_399 = arith.addf %scan3A_372, %get3A_398 : vector<16xf32>
        %scan3A_400 = arith.constant 1 : i32
        %scan3A_401 = arith.addi %scan3A_368, %scan3A_400 : i32
        %get3A_402 = arith.constant 0 : i32
        %get3A_403 = arith.index_cast %get3A_402 : i32 to index
        %get3A_404 = arith.index_cast %scan3A_401 : i32 to index
        %get3A_405 = arith.constant 0 : index
        %get3A_406 = tpu.vector_load %arg6[%get3A_403, %get3A_404, %get3A_405] {strides = array<i32>} : memref<4x200x64xf32, #tpu.memory_space<vmem>>, vector<1x1x16xf32>,
        %get3A_407 = vector.shape_cast %get3A_406 : vector<1x1x16xf32> to vector<16xf32>
        %add3A_408 = arith.addf %add3A_378, %get3A_407 : vector<16xf32>
        %get3A_409 = arith.constant 0 : i32
        %get3A_410 = arith.index_cast %get3A_409 : i32 to index
        %get3A_411 = arith.index_cast %scan3A_401 : i32 to index
        %get3A_412 = arith.constant 16 : index
        %get3A_413 = tpu.vector_load %arg6[%get3A_410, %get3A_411, %get3A_412] {strides = array<i32>} : memref<4x200x64xf32, #tpu.memory_space<vmem>>, vector<1x1x16xf32>,
        %get3A_414 = vector.shape_cast %get3A_413 : vector<1x1x16xf32> to vector<16xf32>
        %add3A_415 = arith.addf %add3A_385, %get3A_414 : vector<16xf32>
        %get3A_416 = arith.constant 0 : i32
        %get3A_417 = arith.index_cast %get3A_416 : i32 to index
        %get3A_418 = arith.index_cast %scan3A_401 : i32 to index
        %get3A_419 = arith.constant 32 : index
        %get3A_420 = tpu.vector_load %arg6[%get3A_417, %get3A_418, %get3A_419] {strides = array<i32>} : memref<4x200x64xf32, #tpu.memory_space<vmem>>, vector<1x1x16xf32>,
        %get3A_421 = vector.shape_cast %get3A_420 : vector<1x1x16xf32> to vector<16xf32>
        %add3A_422 = arith.addf %add3A_392, %get3A_421 : vector<16xf32>
        %get3A_423 = arith.constant 0 : i32
        %get3A_424 = arith.index_cast %get3A_423 : i32 to index
        %get3A_425 = arith.index_cast %scan3A_401 : i32 to index
        %get3A_426 = arith.constant 48 : index
        %get3A_427 = tpu.vector_load %arg6[%get3A_424, %get3A_425, %get3A_426] {strides = array<i32>} : memref<4x200x64xf32, #tpu.memory_space<vmem>>, vector<1x1x16xf32>,
        %get3A_428 = vector.shape_cast %get3A_427 : vector<1x1x16xf32> to vector<16xf32>
        %add3A_429 = arith.addf %add3A_399, %get3A_428 : vector<16xf32>
        %scan3A_430 = arith.constant 2 : i32
        %scan3A_431 = arith.addi %scan3A_368, %scan3A_430 : i32
        %get3A_432 = arith.constant 0 : i32
        %get3A_433 = arith.index_cast %get3A_432 : i32 to index
        %get3A_434 = arith.index_cast %scan3A_431 : i32 to index
        %get3A_435 = arith.constant 0 : index
        %get3A_436 = tpu.vector_load %arg6[%get3A_433, %get3A_434, %get3A_435] {strides = array<i32>} : memref<4x200x64xf32, #tpu.memory_space<vmem>>, vector<1x1x16xf32>,
        %get3A_437 = vector.shape_cast %get3A_436 : vector<1x1x16xf32> to vector<16xf32>
        %add3A_438 = arith.addf %add3A_408, %get3A_437 : vector<16xf32>
        %get3A_439 = arith.constant 0 : i32
        %get3A_440 = arith.index_cast %get3A_439 : i32 to index
        %get3A_441 = arith.index_cast %scan3A_431 : i32 to index
        %get3A_442 = arith.constant 16 : index
        %get3A_443 = tpu.vector_load %arg6[%get3A_440, %get3A_441, %get3A_442] {strides = array<i32>} : memref<4x200x64xf32, #tpu.memory_space<vmem>>, vector<1x1x16xf32>,
        %get3A_444 = vector.shape_cast %get3A_443 : vector<1x1x16xf32> to vector<16xf32>
        %add3A_445 = arith.addf %add3A_415, %get3A_444 : vector<16xf32>
        %get3A_446 = arith.constant 0 : i32
        %get3A_447 = arith.index_cast %get3A_446 : i32 to index
        %get3A_448 = arith.index_cast %scan3A_431 : i32 to index
        %get3A_449 = arith.constant 32 : index
        %get3A_450 = tpu.vector_load %arg6[%get3A_447, %get3A_448, %get3A_449] {strides = array<i32>} : memref<4x200x64xf32, #tpu.memory_space<vmem>>, vector<1x1x16xf32>,
        %get3A_451 = vector.shape_cast %get3A_450 : vector<1x1x16xf32> to vector<16xf32>
        %add3A_452 = arith.addf %add3A_422, %get3A_451 : vector<16xf32>
        %get3A_453 = arith.constant 0 : i32
        %get3A_454 = arith.index_cast %get3A_453 : i32 to index
        %get3A_455 = arith.index_cast %scan3A_431 : i32 to index
        %get3A_456 = arith.constant 48 : index
        %get3A_457 = tpu.vector_load %arg6[%get3A_454, %get3A_455, %get3A_456] {strides = array<i32>} : memref<4x200x64xf32, #tpu.memory_space<vmem>>, vector<1x1x16xf32>,
        %get3A_458 = vector.shape_cast %get3A_457 : vector<1x1x16xf32> to vector<16xf32>
        %add3A_459 = arith.addf %add3A_429, %get3A_458 : vector<16xf32>
        %scan3A_460 = arith.constant 3 : i32
        %scan3A_461 = arith.addi %scan3A_368, %scan3A_460 : i32
        %get3A_462 = arith.constant 0 : i32
        %get3A_463 = arith.index_cast %get3A_462 : i32 to index
        %get3A_464 = arith.index_cast %scan3A_461 : i32 to index
        %get3A_465 = arith.constant 0 : index
        %get3A_466 = tpu.vector_load %arg6[%get3A_463, %get3A_464, %get3A_465] {strides = array<i32>} : memref<4x200x64xf32, #tpu.memory_space<vmem>>, vector<1x1x16xf32>,
        %get3A_467 = vector.shape_cast %get3A_466 : vector<1x1x16xf32> to vector<16xf32>
        %add3A_468 = arith.addf %add3A_438, %get3A_467 : vector<16xf32>
        %get3A_469 = arith.constant 0 : i32
        %get3A_470 = arith.index_cast %get3A_469 : i32 to index
        %get3A_471 = arith.index_cast %scan3A_461 : i32 to index
        %get3A_472 = arith.constant 16 : index
        %get3A_473 = tpu.vector_load %arg6[%get3A_470, %get3A_471, %get3A_472] {strides = array<i32>} : memref<4x200x64xf32, #tpu.memory_space<vmem>>, vector<1x1x16xf32>,
        %get3A_474 = vector.shape_cast %get3A_473 : vector<1x1x16xf32> to vector<16xf32>
        %add3A_475 = arith.addf %add3A_445, %get3A_474 : vector<16xf32>
        %get3A_476 = arith.constant 0 : i32
        %get3A_477 = arith.index_cast %get3A_476 : i32 to index
        %get3A_478 = arith.index_cast %scan3A_461 : i32 to index
        %get3A_479 = arith.constant 32 : index
        %get3A_480 = tpu.vector_load %arg6[%get3A_477, %get3A_478, %get3A_479] {strides = array<i32>} : memref<4x200x64xf32, #tpu.memory_space<vmem>>, vector<1x1x16xf32>,
        %get3A_481 = vector.shape_cast %get3A_480 : vector<1x1x16xf32> to vector<16xf32>
        %add3A_482 = arith.addf %add3A_452, %get3A_481 : vector<16xf32>
        %get3A_483 = arith.constant 0 : i32
        %get3A_484 = arith.index_cast %get3A_483 : i32 to index
        %get3A_485 = arith.index_cast %scan3A_461 : i32 to index
        %get3A_486 = arith.constant 48 : index
        %get3A_487 = tpu.vector_load %arg6[%get3A_484, %get3A_485, %get3A_486] {strides = array<i32>} : memref<4x200x64xf32, #tpu.memory_space<vmem>>, vector<1x1x16xf32>,
        %get3A_488 = vector.shape_cast %get3A_487 : vector<1x1x16xf32> to vector<16xf32>
        %add3A_489 = arith.addf %add3A_459, %get3A_488 : vector<16xf32>
        %scan3A_490 = arith.constant 4 : i32
        %scan3A_491 = arith.addi %scan3A_368, %scan3A_490 : i32
        %get3A_492 = arith.constant 0 : i32
        %get3A_493 = arith.index_cast %get3A_492 : i32 to index
        %get3A_494 = arith.index_cast %scan3A_491 : i32 to index
        %get3A_495 = arith.constant 0 : index
        %get3A_496 = tpu.vector_load %arg6[%get3A_493, %get3A_494, %get3A_495] {strides = array<i32>} : memref<4x200x64xf32, #tpu.memory_space<vmem>>, vector<1x1x16xf32>,
        %get3A_497 = vector.shape_cast %get3A_496 : vector<1x1x16xf32> to vector<16xf32>
        %add3A_498 = arith.addf %add3A_468, %get3A_497 : vector<16xf32>
        %get3A_499 = arith.constant 0 : i32
        %get3A_500 = arith.index_cast %get3A_499 : i32 to index
        %get3A_501 = arith.index_cast %scan3A_491 : i32 to index
        %get3A_502 = arith.constant 16 : index
        %get3A_503 = tpu.vector_load %arg6[%get3A_500, %get3A_501, %get3A_502] {strides = array<i32>} : memref<4x200x64xf32, #tpu.memory_space<vmem>>, vector<1x1x16xf32>,
        %get3A_504 = vector.shape_cast %get3A_503 : vector<1x1x16xf32> to vector<16xf32>
        %add3A_505 = arith.addf %add3A_475, %get3A_504 : vector<16xf32>
        %get3A_506 = arith.constant 0 : i32
        %get3A_507 = arith.index_cast %get3A_506 : i32 to index
        %get3A_508 = arith.index_cast %scan3A_491 : i32 to index
        %get3A_509 = arith.constant 32 : index
        %get3A_510 = tpu.vector_load %arg6[%get3A_507, %get3A_508, %get3A_509] {strides = array<i32>} : memref<4x200x64xf32, #tpu.memory_space<vmem>>, vector<1x1x16xf32>,
        %get3A_511 = vector.shape_cast %get3A_510 : vector<1x1x16xf32> to vector<16xf32>
        %add3A_512 = arith.addf %add3A_482, %get3A_511 : vector<16xf32>
        %get3A_513 = arith.constant 0 : i32
        %get3A_514 = arith.index_cast %get3A_513 : i32 to index
        %get3A_515 = arith.index_cast %scan3A_491 : i32 to index
        %get3A_516 = arith.constant 48 : index
        %get3A_517 = tpu.vector_load %arg6[%get3A_514, %get3A_515, %get3A_516] {strides = array<i32>} : memref<4x200x64xf32, #tpu.memory_space<vmem>>, vector<1x1x16xf32>,
        %get3A_518 = vector.shape_cast %get3A_517 : vector<1x1x16xf32> to vector<16xf32>
        %add3A_519 = arith.addf %add3A_489, %get3A_518 : vector<16xf32>
        %scan3A_520 = arith.constant 5 : i32
        %scan3A_521 = arith.addi %scan3A_368, %scan3A_520 : i32
        %get3A_522 = arith.constant 0 : i32
        %get3A_523 = arith.index_cast %get3A_522 : i32 to index
        %get3A_524 = arith.index_cast %scan3A_521 : i32 to index
        %get3A_525 = arith.constant 0 : index
        %get3A_526 = tpu.vector_load %arg6[%get3A_523, %get3A_524, %get3A_525] {strides = array<i32>} : memref<4x200x64xf32, #tpu.memory_space<vmem>>, vector<1x1x16xf32>,
        %get3A_527 = vector.shape_cast %get3A_526 : vector<1x1x16xf32> to vector<16xf32>
        %add3A_528 = arith.addf %add3A_498, %get3A_527 : vector<16xf32>
        %get3A_529 = arith.constant 0 : i32
        %get3A_530 = arith.index_cast %get3A_529 : i32 to index
        %get3A_531 = arith.index_cast %scan3A_521 : i32 to index
        %get3A_532 = arith.constant 16 : index
        %get3A_533 = tpu.vector_load %arg6[%get3A_530, %get3A_531, %get3A_532] {strides = array<i32>} : memref<4x200x64xf32, #tpu.memory_space<vmem>>, vector<1x1x16xf32>,
        %get3A_534 = vector.shape_cast %get3A_533 : vector<1x1x16xf32> to vector<16xf32>
        %add3A_535 = arith.addf %add3A_505, %get3A_534 : vector<16xf32>
        %get3A_536 = arith.constant 0 : i32
        %get3A_537 = arith.index_cast %get3A_536 : i32 to index
        %get3A_538 = arith.index_cast %scan3A_521 : i32 to index
        %get3A_539 = arith.constant 32 : index
        %get3A_540 = tpu.vector_load %arg6[%get3A_537, %get3A_538, %get3A_539] {strides = array<i32>} : memref<4x200x64xf32, #tpu.memory_space<vmem>>, vector<1x1x16xf32>,
        %get3A_541 = vector.shape_cast %get3A_540 : vector<1x1x16xf32> to vector<16xf32>
        %add3A_542 = arith.addf %add3A_512, %get3A_541 : vector<16xf32>
        %get3A_543 = arith.constant 0 : i32
        %get3A_544 = arith.index_cast %get3A_543 : i32 to index
        %get3A_545 = arith.index_cast %scan3A_521 : i32 to index
        %get3A_546 = arith.constant 48 : index
        %get3A_547 = tpu.vector_load %arg6[%get3A_544, %get3A_545, %get3A_546] {strides = array<i32>} : memref<4x200x64xf32, #tpu.memory_space<vmem>>, vector<1x1x16xf32>,
        %get3A_548 = vector.shape_cast %get3A_547 : vector<1x1x16xf32> to vector<16xf32>
        %add3A_549 = arith.addf %add3A_519, %get3A_548 : vector<16xf32>
        %scan3A_550 = arith.constant 6 : i32
        %scan3A_551 = arith.addi %scan3A_368, %scan3A_550 : i32
        %get3A_552 = arith.constant 0 : i32
        %get3A_553 = arith.index_cast %get3A_552 : i32 to index
        %get3A_554 = arith.index_cast %scan3A_551 : i32 to index
        %get3A_555 = arith.constant 0 : index
        %get3A_556 = tpu.vector_load %arg6[%get3A_553, %get3A_554, %get3A_555] {strides = array<i32>} : memref<4x200x64xf32, #tpu.memory_space<vmem>>, vector<1x1x16xf32>,
        %get3A_557 = vector.shape_cast %get3A_556 : vector<1x1x16xf32> to vector<16xf32>
        %add3A_558 = arith.addf %add3A_528, %get3A_557 : vector<16xf32>
        %get3A_559 = arith.constant 0 : i32
        %get3A_560 = arith.index_cast %get3A_559 : i32 to index
        %get3A_561 = arith.index_cast %scan3A_551 : i32 to index
        %get3A_562 = arith.constant 16 : index
        %get3A_563 = tpu.vector_load %arg6[%get3A_560, %get3A_561, %get3A_562] {strides = array<i32>} : memref<4x200x64xf32, #tpu.memory_space<vmem>>, vector<1x1x16xf32>,
        %get3A_564 = vector.shape_cast %get3A_563 : vector<1x1x16xf32> to vector<16xf32>
        %add3A_565 = arith.addf %add3A_535, %get3A_564 : vector<16xf32>
        %get3A_566 = arith.constant 0 : i32
        %get3A_567 = arith.index_cast %get3A_566 : i32 to index
        %get3A_568 = arith.index_cast %scan3A_551 : i32 to index
        %get3A_569 = arith.constant 32 : index
        %get3A_570 = tpu.vector_load %arg6[%get3A_567, %get3A_568, %get3A_569] {strides = array<i32>} : memref<4x200x64xf32, #tpu.memory_space<vmem>>, vector<1x1x16xf32>,
        %get3A_571 = vector.shape_cast %get3A_570 : vector<1x1x16xf32> to vector<16xf32>
        %add3A_572 = arith.addf %add3A_542, %get3A_571 : vector<16xf32>
        %get3A_573 = arith.constant 0 : i32
        %get3A_574 = arith.index_cast %get3A_573 : i32 to index
        %get3A_575 = arith.index_cast %scan3A_551 : i32 to index
        %get3A_576 = arith.constant 48 : index
        %get3A_577 = tpu.vector_load %arg6[%get3A_574, %get3A_575, %get3A_576] {strides = array<i32>} : memref<4x200x64xf32, #tpu.memory_space<vmem>>, vector<1x1x16xf32>,
        %get3A_578 = vector.shape_cast %get3A_577 : vector<1x1x16xf32> to vector<16xf32>
        %add3A_579 = arith.addf %add3A_549, %get3A_578 : vector<16xf32>
        %scan3A_580 = arith.constant 7 : i32
        %scan3A_581 = arith.addi %scan3A_368, %scan3A_580 : i32
        %get3A_582 = arith.constant 0 : i32
        %get3A_583 = arith.index_cast %get3A_582 : i32 to index
        %get3A_584 = arith.index_cast %scan3A_581 : i32 to index
        %get3A_585 = arith.constant 0 : index
        %get3A_586 = tpu.vector_load %arg6[%get3A_583, %get3A_584, %get3A_585] {strides = array<i32>} : memref<4x200x64xf32, #tpu.memory_space<vmem>>, vector<1x1x16xf32>,
        %get3A_587 = vector.shape_cast %get3A_586 : vector<1x1x16xf32> to vector<16xf32>
        %add3A_588 = arith.addf %add3A_558, %get3A_587 : vector<16xf32>
        %get3A_589 = arith.constant 0 : i32
        %get3A_590 = arith.index_cast %get3A_589 : i32 to index
        %get3A_591 = arith.index_cast %scan3A_581 : i32 to index
        %get3A_592 = arith.constant 16 : index
        %get3A_593 = tpu.vector_load %arg6[%get3A_590, %get3A_591, %get3A_592] {strides = array<i32>} : memref<4x200x64xf32, #tpu.memory_space<vmem>>, vector<1x1x16xf32>,
        %get3A_594 = vector.shape_cast %get3A_593 : vector<1x1x16xf32> to vector<16xf32>
        %add3A_595 = arith.addf %add3A_565, %get3A_594 : vector<16xf32>
        %get3A_596 = arith.constant 0 : i32
        %get3A_597 = arith.index_cast %get3A_596 : i32 to index
        %get3A_598 = arith.index_cast %scan3A_581 : i32 to index
        %get3A_599 = arith.constant 32 : index
        %get3A_600 = tpu.vector_load %arg6[%get3A_597, %get3A_598, %get3A_599] {strides = array<i32>} : memref<4x200x64xf32, #tpu.memory_space<vmem>>, vector<1x1x16xf32>,
        %get3A_601 = vector.shape_cast %get3A_600 : vector<1x1x16xf32> to vector<16xf32>
        %add3A_602 = arith.addf %add3A_572, %get3A_601 : vector<16xf32>
        %get3A_603 = arith.constant 0 : i32
        %get3A_604 = arith.index_cast %get3A_603 : i32 to index
        %get3A_605 = arith.index_cast %scan3A_581 : i32 to index
        %get3A_606 = arith.constant 48 : index
        %get3A_607 = tpu.vector_load %arg6[%get3A_604, %get3A_605, %get3A_606] {strides = array<i32>} : memref<4x200x64xf32, #tpu.memory_space<vmem>>, vector<1x1x16xf32>,
        %get3A_608 = vector.shape_cast %get3A_607 : vector<1x1x16xf32> to vector<16xf32>
        %add3A_609 = arith.addf %add3A_579, %get3A_608 : vector<16xf32>
        scf.yield %add3A_588, %add3A_595, %add3A_602, %add3A_609 : vector<16xf32>, vector<16xf32>, vector<16xf32>, vector<16xf32>
      }
      %scan3A_143 = arith.constant 200 : i32
      %swap3A = arith.index_cast %add3A_109 : i32 to index
      %swap3A_144 = arith.constant 0 : index
      %swap3A_145 = tpu.vector_load %arg7[%swap3A, %swap3A_144] {strides = array<i32>} : memref<128x64xf32, #tpu.memory_space<vmem>>, vector<1x16xf32>,
      %swap3A_146 = vector.shape_cast %swap3A_145 : vector<1x16xf32> to vector<16xf32>
      %swap3A_147 = vector.shape_cast %scan3A_142#0 : vector<16xf32> to vector<1x16xf32>
      tpu.vector_store %arg7[%swap3A, %swap3A_144], %swap3A_147 {strides = array<i32>} : memref<128x64xf32, #tpu.memory_space<vmem>>, vector<1x16xf32>,
      %swap3A_148 = arith.index_cast %add3A_109 : i32 to index
      %swap3A_149 = arith.constant 16 : index
      %swap3A_150 = tpu.vector_load %arg7[%swap3A_148, %swap3A_149] {strides = array<i32>} : memref<128x64xf32, #tpu.memory_space<vmem>>, vector<1x16xf32>,
      %swap3A_151 = vector.shape_cast %swap3A_150 : vector<1x16xf32> to vector<16xf32>
      %swap3A_152 = vector.shape_cast %scan3A_142#1 : vector<16xf32> to vector<1x16xf32>
      tpu.vector_store %arg7[%swap3A_148, %swap3A_149], %swap3A_152 {strides = array<i32>} : memref<128x64xf32, #tpu.memory_space<vmem>>, vector<1x16xf32>,
      %swap3A_153 = arith.index_cast %add3A_109 : i32 to index
      %swap3A_154 = arith.constant 32 : index
      %swap3A_155 = tpu.vector_load %arg7[%swap3A_153, %swap3A_154] {strides = array<i32>} : memref<128x64xf32, #tpu.memory_space<vmem>>, vector<1x16xf32>,
      %swap3A_156 = vector.shape_cast %swap3A_155 : vector<1x16xf32> to vector<16xf32>
      %swap3A_157 = vector.shape_cast %scan3A_142#2 : vector<16xf32> to vector<1x16xf32>
      tpu.vector_store %arg7[%swap3A_153, %swap3A_154], %swap3A_157 {strides = array<i32>} : memref<128x64xf32, #tpu.memory_space<vmem>>, vector<1x16xf32>,
      %swap3A_158 = arith.index_cast %add3A_109 : i32 to index
      %swap3A_159 = arith.constant 48 : index
      %swap3A_160 = tpu.vector_load %arg7[%swap3A_158, %swap3A_159] {strides = array<i32>} : memref<128x64xf32, #tpu.memory_space<vmem>>, vector<1x16xf32>,
      %swap3A_161 = vector.shape_cast %swap3A_160 : vector<1x16xf32> to vector<16xf32>
      %swap3A_162 = vector.shape_cast %scan3A_142#3 : vector<16xf32> to vector<1x16xf32>
      tpu.vector_store %arg7[%swap3A_158, %swap3A_159], %swap3A_162 {strides = array<i32>} : memref<128x64xf32, #tpu.memory_space<vmem>>, vector<1x16xf32>,
      %add3A_163 = arith.constant 4 : i32
      %add3A_164 = arith.addi %add3A_109, %add3A_163 : i32
      %lt3A = arith.constant 128 : i32
      %lt3A_165 = arith.cmpi slt, %add3A_164, %lt3A : i32
      %convert_element_type3A = arith.extui %lt3A_165 : i1 to i32
      %cond3A = arith.constant 0 : i32
      %cond3A_166 = arith.cmpi ne, %convert_element_type3A, %cond3A : i32
      scf.if %cond3A_166 {
        %dma_start3A_368 = arith.constant 0 : i32
        %dma_start3A_369 = arith.constant 0 : i32
        %dma_start3A_370 = arith.constant 0 : i32
        %dma_start3A_371 = tpu.memref_slice %arg6[%dma_start3A_368, %dma_start3A_369, %dma_start3A_370] : memref<4x200x64xf32, #tpu.memory_space<vmem>> -> memref<1x96x64xf32, #tpu.memory_space<vmem>>
        %dma_start3A_372 = tpu.memref_squeeze %dma_start3A_371 : memref<1x96x64xf32, #tpu.memory_space<vmem>> -> memref<96x64xf32, #tpu.memory_space<vmem>>
        %dma_start3A_373 = arith.constant 0 : i32
        %dma_start3A_374 = tpu.memref_slice %arg5[%add3A_164, %dma_start3A_373] : memref<128x200xi32, #tpu.memory_space<vmem>> -> memref<1x96xi32, #tpu.memory_space<vmem>>
        %dma_start3A_375 = tpu.memref_squeeze %dma_start3A_374 : memref<1x96xi32, #tpu.memory_space<vmem>> -> memref<96xi32, #tpu.memory_space<vmem>>
        %dma_start3A_376 = arith.constant 0 : i32
        %dma_start3A_377 = arith.constant 0 : i32
        %dma_start3A_378 = tpu.memref_slice %arg3[%dma_start3A_376, %dma_start3A_377] : memref<1000000x64xf32, #tpu.memory_space<hbm>> -> memref<1000000x64xf32, #tpu.memory_space<hbm>>
        tpu.enqueue_indirect_dma source(%dma_start3A_378 : memref<1000000x64xf32, #tpu.memory_space<hbm>>) target(%dma_start3A_372 : memref<96x64xf32, #tpu.memory_space<vmem>>) offsets(%dma_start3A_375 : memref<96xi32, #tpu.memory_space<vmem>>) semaphore(%arg8 : memref<!tpu.dma_semaphore, #tpu.memory_space<semaphore_mem>>)
        %dma_start3A_379 = arith.constant 0 : i32
        %dma_start3A_380 = arith.constant 96 : i32
        %dma_start3A_381 = arith.constant 0 : i32
        %dma_start3A_382 = tpu.memref_slice %arg6[%dma_start3A_379, %dma_start3A_380, %dma_start3A_381] : memref<4x200x64xf32, #tpu.memory_space<vmem>> -> memref<1x104x64xf32, #tpu.memory_space<vmem>>
        %dma_start3A_383 = tpu.memref_squeeze %dma_start3A_382 : memref<1x104x64xf32, #tpu.memory_space<vmem>> -> memref<104x64xf32, #tpu.memory_space<vmem>>
        %dma_start3A_384 = arith.constant 96 : i32
        %dma_start3A_385 = tpu.memref_slice %arg5[%add3A_164, %dma_start3A_384] : memref<128x200xi32, #tpu.memory_space<vmem>> -> memref<1x104xi32, #tpu.memory_space<vmem>>
        %dma_start3A_386 = tpu.memref_squeeze %dma_start3A_385 : memref<1x104xi32, #tpu.memory_space<vmem>> -> memref<104xi32, #tpu.memory_space<vmem>>
        %dma_start3A_387 = arith.constant 0 : i32
        %dma_start3A_388 = arith.constant 0 : i32
        %dma_start3A_389 = tpu.memref_slice %arg3[%dma_start3A_387, %dma_start3A_388] : memref<1000000x64xf32, #tpu.memory_space<hbm>> -> memref<1000000x64xf32, #tpu.memory_space<hbm>>
        tpu.enqueue_indirect_dma source(%dma_start3A_389 : memref<1000000x64xf32, #tpu.memory_space<hbm>>) target(%dma_start3A_383 : memref<104x64xf32, #tpu.memory_space<vmem>>) offsets(%dma_start3A_386 : memref<104xi32, #tpu.memory_space<vmem>>) semaphore(%arg8 : memref<!tpu.dma_semaphore, #tpu.memory_space<semaphore_mem>>)
      } else {
      }
      %mul3A_167 = arith.constant 4 : i32
      %mul3A_168 = arith.muli %mul3A_167, %scan3A_105 : i32
      %add3A_169 = arith.constant 1 : i32
      %add3A_170 = arith.addi %mul3A_168, %add3A_169 : i32
      %dma_wait3A_171 = arith.constant 1 : i32
      %dma_wait3A_172 = arith.constant 0 : i32
      %dma_wait3A_173 = arith.constant 0 : i32
      %dma_wait3A_174 = tpu.memref_slice %arg6[%dma_wait3A_171, %dma_wait3A_172, %dma_wait3A_173] : memref<4x200x64xf32, #tpu.memory_space<vmem>> -> memref<1x96x64xf32, #tpu.memory_space<vmem>>
      %dma_wait3A_175 = tpu.memref_squeeze %dma_wait3A_174 : memref<1x96x64xf32, #tpu.memory_space<vmem>> -> memref<96x64xf32, #tpu.memory_space<vmem>>
      %dma_wait3A_176 = arith.constant 0 : i32
      %dma_wait3A_177 = tpu.memref_slice %arg5[%add3A_170, %dma_wait3A_176] : memref<128x200xi32, #tpu.memory_space<vmem>> -> memref<1x96xi32, #tpu.memory_space<vmem>>
      %dma_wait3A_178 = tpu.memref_squeeze %dma_wait3A_177 : memref<1x96xi32, #tpu.memory_space<vmem>> -> memref<96xi32, #tpu.memory_space<vmem>>
      %dma_wait3A_179 = arith.constant 0 : i32
      %dma_wait3A_180 = arith.constant 0 : i32
      %dma_wait3A_181 = tpu.memref_slice %arg3[%dma_wait3A_179, %dma_wait3A_180] : memref<1000000x64xf32, #tpu.memory_space<hbm>> -> memref<1000000x64xf32, #tpu.memory_space<hbm>>
      tpu.wait_indirect_dma semaphore(%arg9 : memref<!tpu.dma_semaphore, #tpu.memory_space<semaphore_mem>>) src(%dma_wait3A_181 : memref<1000000x64xf32, #tpu.memory_space<hbm>>) dst(%dma_wait3A_175 : memref<96x64xf32, #tpu.memory_space<vmem>>)
      %dma_wait3A_182 = arith.constant 1 : i32
      %dma_wait3A_183 = arith.constant 96 : i32
      %dma_wait3A_184 = arith.constant 0 : i32
      %dma_wait3A_185 = tpu.memref_slice %arg6[%dma_wait3A_182, %dma_wait3A_183, %dma_wait3A_184] : memref<4x200x64xf32, #tpu.memory_space<vmem>> -> memref<1x104x64xf32, #tpu.memory_space<vmem>>
      %dma_wait3A_186 = tpu.memref_squeeze %dma_wait3A_185 : memref<1x104x64xf32, #tpu.memory_space<vmem>> -> memref<104x64xf32, #tpu.memory_space<vmem>>
      %dma_wait3A_187 = arith.constant 96 : i32
      %dma_wait3A_188 = tpu.memref_slice %arg5[%add3A_170, %dma_wait3A_187] : memref<128x200xi32, #tpu.memory_space<vmem>> -> memref<1x104xi32, #tpu.memory_space<vmem>>
      %dma_wait3A_189 = tpu.memref_squeeze %dma_wait3A_188 : memref<1x104xi32, #tpu.memory_space<vmem>> -> memref<104xi32, #tpu.memory_space<vmem>>
      %dma_wait3A_190 = arith.constant 0 : i32
      %dma_wait3A_191 = arith.constant 0 : i32
      %dma_wait3A_192 = tpu.memref_slice %arg3[%dma_wait3A_190, %dma_wait3A_191] : memref<1000000x64xf32, #tpu.memory_space<hbm>> -> memref<1000000x64xf32, #tpu.memory_space<hbm>>
      tpu.wait_indirect_dma semaphore(%arg9 : memref<!tpu.dma_semaphore, #tpu.memory_space<semaphore_mem>>) src(%dma_wait3A_192 : memref<1000000x64xf32, #tpu.memory_space<hbm>>) dst(%dma_wait3A_186 : memref<104x64xf32, #tpu.memory_space<vmem>>)
      %broadcast_in_dim3A_193 = arith.constant 0.000000e+00 : f32
      %broadcast_in_dim3A_194 = vector.broadcast %broadcast_in_dim3A_193 : f32 to vector<16xf32>
      %broadcast_in_dim3A_195 = arith.constant 0.000000e+00 : f32
      %broadcast_in_dim3A_196 = vector.broadcast %broadcast_in_dim3A_195 : f32 to vector<16xf32>
      %broadcast_in_dim3A_197 = arith.constant 0.000000e+00 : f32
      %broadcast_in_dim3A_198 = vector.broadcast %broadcast_in_dim3A_197 : f32 to vector<16xf32>
      %broadcast_in_dim3A_199 = arith.constant 0.000000e+00 : f32
      %broadcast_in_dim3A_200 = vector.broadcast %broadcast_in_dim3A_199 : f32 to vector<16xf32>
      %scan3A_201 = arith.constant 0 : i32
      %scan3A_202 = arith.constant 200 : i32
      %scan3A_203 = arith.addi %scan3A_201, %scan3A_202 : i32
      %scan3A_204 = arith.constant 8 : i32
      %scan3A_205:4 = scf.for %scan3A_368 = %scan3A_201 to %scan3A_203 step %scan3A_204 iter_args(%scan3A_369 = %broadcast_in_dim3A_194, %scan3A_370 = %broadcast_in_dim3A_196, %scan3A_371 = %broadcast_in_dim3A_198, %scan3A_372 = %broadcast_in_dim3A_200) -> (vector<16xf32>, vector<16xf32>, vector<16xf32>, vector<16xf32>)  : i32 {
        %get3A = arith.constant 1 : i32
        %get3A_373 = arith.index_cast %get3A : i32 to index
        %get3A_374 = arith.index_cast %scan3A_368 : i32 to index
        %get3A_375 = arith.constant 0 : index
        %get3A_376 = tpu.vector_load %arg6[%get3A_373, %get3A_374, %get3A_375] {strides = array<i32>} : memref<4x200x64xf32, #tpu.memory_space<vmem>>, vector<1x1x16xf32>,
        %get3A_377 = vector.shape_cast %get3A_376 : vector<1x1x16xf32> to vector<16xf32>
        %add3A_378 = arith.addf %scan3A_369, %get3A_377 : vector<16xf32>
        %get3A_379 = arith.constant 1 : i32
        %get3A_380 = arith.index_cast %get3A_379 : i32 to index
        %get3A_381 = arith.index_cast %scan3A_368 : i32 to index
        %get3A_382 = arith.constant 16 : index
        %get3A_383 = tpu.vector_load %arg6[%get3A_380, %get3A_381, %get3A_382] {strides = array<i32>} : memref<4x200x64xf32, #tpu.memory_space<vmem>>, vector<1x1x16xf32>,
        %get3A_384 = vector.shape_cast %get3A_383 : vector<1x1x16xf32> to vector<16xf32>
        %add3A_385 = arith.addf %scan3A_370, %get3A_384 : vector<16xf32>
        %get3A_386 = arith.constant 1 : i32
        %get3A_387 = arith.index_cast %get3A_386 : i32 to index
        %get3A_388 = arith.index_cast %scan3A_368 : i32 to index
        %get3A_389 = arith.constant 32 : index
        %get3A_390 = tpu.vector_load %arg6[%get3A_387, %get3A_388, %get3A_389] {strides = array<i32>} : memref<4x200x64xf32, #tpu.memory_space<vmem>>, vector<1x1x16xf32>,
        %get3A_391 = vector.shape_cast %get3A_390 : vector<1x1x16xf32> to vector<16xf32>
        %add3A_392 = arith.addf %scan3A_371, %get3A_391 : vector<16xf32>
        %get3A_393 = arith.constant 1 : i32
        %get3A_394 = arith.index_cast %get3A_393 : i32 to index
        %get3A_395 = arith.index_cast %scan3A_368 : i32 to index
        %get3A_396 = arith.constant 48 : index
        %get3A_397 = tpu.vector_load %arg6[%get3A_394, %get3A_395, %get3A_396] {strides = array<i32>} : memref<4x200x64xf32, #tpu.memory_space<vmem>>, vector<1x1x16xf32>,
        %get3A_398 = vector.shape_cast %get3A_397 : vector<1x1x16xf32> to vector<16xf32>
        %add3A_399 = arith.addf %scan3A_372, %get3A_398 : vector<16xf32>
        %scan3A_400 = arith.constant 1 : i32
        %scan3A_401 = arith.addi %scan3A_368, %scan3A_400 : i32
        %get3A_402 = arith.constant 1 : i32
        %get3A_403 = arith.index_cast %get3A_402 : i32 to index
        %get3A_404 = arith.index_cast %scan3A_401 : i32 to index
        %get3A_405 = arith.constant 0 : index
        %get3A_406 = tpu.vector_load %arg6[%get3A_403, %get3A_404, %get3A_405] {strides = array<i32>} : memref<4x200x64xf32, #tpu.memory_space<vmem>>, vector<1x1x16xf32>,
        %get3A_407 = vector.shape_cast %get3A_406 : vector<1x1x16xf32> to vector<16xf32>
        %add3A_408 = arith.addf %add3A_378, %get3A_407 : vector<16xf32>
        %get3A_409 = arith.constant 1 : i32
        %get3A_410 = arith.index_cast %get3A_409 : i32 to index
        %get3A_411 = arith.index_cast %scan3A_401 : i32 to index
        %get3A_412 = arith.constant 16 : index
        %get3A_413 = tpu.vector_load %arg6[%get3A_410, %get3A_411, %get3A_412] {strides = array<i32>} : memref<4x200x64xf32, #tpu.memory_space<vmem>>, vector<1x1x16xf32>,
        %get3A_414 = vector.shape_cast %get3A_413 : vector<1x1x16xf32> to vector<16xf32>
        %add3A_415 = arith.addf %add3A_385, %get3A_414 : vector<16xf32>
        %get3A_416 = arith.constant 1 : i32
        %get3A_417 = arith.index_cast %get3A_416 : i32 to index
        %get3A_418 = arith.index_cast %scan3A_401 : i32 to index
        %get3A_419 = arith.constant 32 : index
        %get3A_420 = tpu.vector_load %arg6[%get3A_417, %get3A_418, %get3A_419] {strides = array<i32>} : memref<4x200x64xf32, #tpu.memory_space<vmem>>, vector<1x1x16xf32>,
        %get3A_421 = vector.shape_cast %get3A_420 : vector<1x1x16xf32> to vector<16xf32>
        %add3A_422 = arith.addf %add3A_392, %get3A_421 : vector<16xf32>
        %get3A_423 = arith.constant 1 : i32
        %get3A_424 = arith.index_cast %get3A_423 : i32 to index
        %get3A_425 = arith.index_cast %scan3A_401 : i32 to index
        %get3A_426 = arith.constant 48 : index
        %get3A_427 = tpu.vector_load %arg6[%get3A_424, %get3A_425, %get3A_426] {strides = array<i32>} : memref<4x200x64xf32, #tpu.memory_space<vmem>>, vector<1x1x16xf32>,
        %get3A_428 = vector.shape_cast %get3A_427 : vector<1x1x16xf32> to vector<16xf32>
        %add3A_429 = arith.addf %add3A_399, %get3A_428 : vector<16xf32>
        %scan3A_430 = arith.constant 2 : i32
        %scan3A_431 = arith.addi %scan3A_368, %scan3A_430 : i32
        %get3A_432 = arith.constant 1 : i32
        %get3A_433 = arith.index_cast %get3A_432 : i32 to index
        %get3A_434 = arith.index_cast %scan3A_431 : i32 to index
        %get3A_435 = arith.constant 0 : index
        %get3A_436 = tpu.vector_load %arg6[%get3A_433, %get3A_434, %get3A_435] {strides = array<i32>} : memref<4x200x64xf32, #tpu.memory_space<vmem>>, vector<1x1x16xf32>,
        %get3A_437 = vector.shape_cast %get3A_436 : vector<1x1x16xf32> to vector<16xf32>
        %add3A_438 = arith.addf %add3A_408, %get3A_437 : vector<16xf32>
        %get3A_439 = arith.constant 1 : i32
        %get3A_440 = arith.index_cast %get3A_439 : i32 to index
        %get3A_441 = arith.index_cast %scan3A_431 : i32 to index
        %get3A_442 = arith.constant 16 : index
        %get3A_443 = tpu.vector_load %arg6[%get3A_440, %get3A_441, %get3A_442] {strides = array<i32>} : memref<4x200x64xf32, #tpu.memory_space<vmem>>, vector<1x1x16xf32>,
        %get3A_444 = vector.shape_cast %get3A_443 : vector<1x1x16xf32> to vector<16xf32>
        %add3A_445 = arith.addf %add3A_415, %get3A_444 : vector<16xf32>
        %get3A_446 = arith.constant 1 : i32
        %get3A_447 = arith.index_cast %get3A_446 : i32 to index
        %get3A_448 = arith.index_cast %scan3A_431 : i32 to index
        %get3A_449 = arith.constant 32 : index
        %get3A_450 = tpu.vector_load %arg6[%get3A_447, %get3A_448, %get3A_449] {strides = array<i32>} : memref<4x200x64xf32, #tpu.memory_space<vmem>>, vector<1x1x16xf32>,
        %get3A_451 = vector.shape_cast %get3A_450 : vector<1x1x16xf32> to vector<16xf32>
        %add3A_452 = arith.addf %add3A_422, %get3A_451 : vector<16xf32>
        %get3A_453 = arith.constant 1 : i32
        %get3A_454 = arith.index_cast %get3A_453 : i32 to index
        %get3A_455 = arith.index_cast %scan3A_431 : i32 to index
        %get3A_456 = arith.constant 48 : index
        %get3A_457 = tpu.vector_load %arg6[%get3A_454, %get3A_455, %get3A_456] {strides = array<i32>} : memref<4x200x64xf32, #tpu.memory_space<vmem>>, vector<1x1x16xf32>,
        %get3A_458 = vector.shape_cast %get3A_457 : vector<1x1x16xf32> to vector<16xf32>
        %add3A_459 = arith.addf %add3A_429, %get3A_458 : vector<16xf32>
        %scan3A_460 = arith.constant 3 : i32
        %scan3A_461 = arith.addi %scan3A_368, %scan3A_460 : i32
        %get3A_462 = arith.constant 1 : i32
        %get3A_463 = arith.index_cast %get3A_462 : i32 to index
        %get3A_464 = arith.index_cast %scan3A_461 : i32 to index
        %get3A_465 = arith.constant 0 : index
        %get3A_466 = tpu.vector_load %arg6[%get3A_463, %get3A_464, %get3A_465] {strides = array<i32>} : memref<4x200x64xf32, #tpu.memory_space<vmem>>, vector<1x1x16xf32>,
        %get3A_467 = vector.shape_cast %get3A_466 : vector<1x1x16xf32> to vector<16xf32>
        %add3A_468 = arith.addf %add3A_438, %get3A_467 : vector<16xf32>
        %get3A_469 = arith.constant 1 : i32
        %get3A_470 = arith.index_cast %get3A_469 : i32 to index
        %get3A_471 = arith.index_cast %scan3A_461 : i32 to index
        %get3A_472 = arith.constant 16 : index
        %get3A_473 = tpu.vector_load %arg6[%get3A_470, %get3A_471, %get3A_472] {strides = array<i32>} : memref<4x200x64xf32, #tpu.memory_space<vmem>>, vector<1x1x16xf32>,
        %get3A_474 = vector.shape_cast %get3A_473 : vector<1x1x16xf32> to vector<16xf32>
        %add3A_475 = arith.addf %add3A_445, %get3A_474 : vector<16xf32>
        %get3A_476 = arith.constant 1 : i32
        %get3A_477 = arith.index_cast %get3A_476 : i32 to index
        %get3A_478 = arith.index_cast %scan3A_461 : i32 to index
        %get3A_479 = arith.constant 32 : index
        %get3A_480 = tpu.vector_load %arg6[%get3A_477, %get3A_478, %get3A_479] {strides = array<i32>} : memref<4x200x64xf32, #tpu.memory_space<vmem>>, vector<1x1x16xf32>,
        %get3A_481 = vector.shape_cast %get3A_480 : vector<1x1x16xf32> to vector<16xf32>
        %add3A_482 = arith.addf %add3A_452, %get3A_481 : vector<16xf32>
        %get3A_483 = arith.constant 1 : i32
        %get3A_484 = arith.index_cast %get3A_483 : i32 to index
        %get3A_485 = arith.index_cast %scan3A_461 : i32 to index
        %get3A_486 = arith.constant 48 : index
        %get3A_487 = tpu.vector_load %arg6[%get3A_484, %get3A_485, %get3A_486] {strides = array<i32>} : memref<4x200x64xf32, #tpu.memory_space<vmem>>, vector<1x1x16xf32>,
        %get3A_488 = vector.shape_cast %get3A_487 : vector<1x1x16xf32> to vector<16xf32>
        %add3A_489 = arith.addf %add3A_459, %get3A_488 : vector<16xf32>
        %scan3A_490 = arith.constant 4 : i32
        %scan3A_491 = arith.addi %scan3A_368, %scan3A_490 : i32
        %get3A_492 = arith.constant 1 : i32
        %get3A_493 = arith.index_cast %get3A_492 : i32 to index
        %get3A_494 = arith.index_cast %scan3A_491 : i32 to index
        %get3A_495 = arith.constant 0 : index
        %get3A_496 = tpu.vector_load %arg6[%get3A_493, %get3A_494, %get3A_495] {strides = array<i32>} : memref<4x200x64xf32, #tpu.memory_space<vmem>>, vector<1x1x16xf32>,
        %get3A_497 = vector.shape_cast %get3A_496 : vector<1x1x16xf32> to vector<16xf32>
        %add3A_498 = arith.addf %add3A_468, %get3A_497 : vector<16xf32>
        %get3A_499 = arith.constant 1 : i32
        %get3A_500 = arith.index_cast %get3A_499 : i32 to index
        %get3A_501 = arith.index_cast %scan3A_491 : i32 to index
        %get3A_502 = arith.constant 16 : index
        %get3A_503 = tpu.vector_load %arg6[%get3A_500, %get3A_501, %get3A_502] {strides = array<i32>} : memref<4x200x64xf32, #tpu.memory_space<vmem>>, vector<1x1x16xf32>,
        %get3A_504 = vector.shape_cast %get3A_503 : vector<1x1x16xf32> to vector<16xf32>
        %add3A_505 = arith.addf %add3A_475, %get3A_504 : vector<16xf32>
        %get3A_506 = arith.constant 1 : i32
        %get3A_507 = arith.index_cast %get3A_506 : i32 to index
        %get3A_508 = arith.index_cast %scan3A_491 : i32 to index
        %get3A_509 = arith.constant 32 : index
        %get3A_510 = tpu.vector_load %arg6[%get3A_507, %get3A_508, %get3A_509] {strides = array<i32>} : memref<4x200x64xf32, #tpu.memory_space<vmem>>, vector<1x1x16xf32>,
        %get3A_511 = vector.shape_cast %get3A_510 : vector<1x1x16xf32> to vector<16xf32>
        %add3A_512 = arith.addf %add3A_482, %get3A_511 : vector<16xf32>
        %get3A_513 = arith.constant 1 : i32
        %get3A_514 = arith.index_cast %get3A_513 : i32 to index
        %get3A_515 = arith.index_cast %scan3A_491 : i32 to index
        %get3A_516 = arith.constant 48 : index
        %get3A_517 = tpu.vector_load %arg6[%get3A_514, %get3A_515, %get3A_516] {strides = array<i32>} : memref<4x200x64xf32, #tpu.memory_space<vmem>>, vector<1x1x16xf32>,
        %get3A_518 = vector.shape_cast %get3A_517 : vector<1x1x16xf32> to vector<16xf32>
        %add3A_519 = arith.addf %add3A_489, %get3A_518 : vector<16xf32>
        %scan3A_520 = arith.constant 5 : i32
        %scan3A_521 = arith.addi %scan3A_368, %scan3A_520 : i32
        %get3A_522 = arith.constant 1 : i32
        %get3A_523 = arith.index_cast %get3A_522 : i32 to index
        %get3A_524 = arith.index_cast %scan3A_521 : i32 to index
        %get3A_525 = arith.constant 0 : index
        %get3A_526 = tpu.vector_load %arg6[%get3A_523, %get3A_524, %get3A_525] {strides = array<i32>} : memref<4x200x64xf32, #tpu.memory_space<vmem>>, vector<1x1x16xf32>,
        %get3A_527 = vector.shape_cast %get3A_526 : vector<1x1x16xf32> to vector<16xf32>
        %add3A_528 = arith.addf %add3A_498, %get3A_527 : vector<16xf32>
        %get3A_529 = arith.constant 1 : i32
        %get3A_530 = arith.index_cast %get3A_529 : i32 to index
        %get3A_531 = arith.index_cast %scan3A_521 : i32 to index
        %get3A_532 = arith.constant 16 : index
        %get3A_533 = tpu.vector_load %arg6[%get3A_530, %get3A_531, %get3A_532] {strides = array<i32>} : memref<4x200x64xf32, #tpu.memory_space<vmem>>, vector<1x1x16xf32>,
        %get3A_534 = vector.shape_cast %get3A_533 : vector<1x1x16xf32> to vector<16xf32>
        %add3A_535 = arith.addf %add3A_505, %get3A_534 : vector<16xf32>
        %get3A_536 = arith.constant 1 : i32
        %get3A_537 = arith.index_cast %get3A_536 : i32 to index
        %get3A_538 = arith.index_cast %scan3A_521 : i32 to index
        %get3A_539 = arith.constant 32 : index
        %get3A_540 = tpu.vector_load %arg6[%get3A_537, %get3A_538, %get3A_539] {strides = array<i32>} : memref<4x200x64xf32, #tpu.memory_space<vmem>>, vector<1x1x16xf32>,
        %get3A_541 = vector.shape_cast %get3A_540 : vector<1x1x16xf32> to vector<16xf32>
        %add3A_542 = arith.addf %add3A_512, %get3A_541 : vector<16xf32>
        %get3A_543 = arith.constant 1 : i32
        %get3A_544 = arith.index_cast %get3A_543 : i32 to index
        %get3A_545 = arith.index_cast %scan3A_521 : i32 to index
        %get3A_546 = arith.constant 48 : index
        %get3A_547 = tpu.vector_load %arg6[%get3A_544, %get3A_545, %get3A_546] {strides = array<i32>} : memref<4x200x64xf32, #tpu.memory_space<vmem>>, vector<1x1x16xf32>,
        %get3A_548 = vector.shape_cast %get3A_547 : vector<1x1x16xf32> to vector<16xf32>
        %add3A_549 = arith.addf %add3A_519, %get3A_548 : vector<16xf32>
        %scan3A_550 = arith.constant 6 : i32
        %scan3A_551 = arith.addi %scan3A_368, %scan3A_550 : i32
        %get3A_552 = arith.constant 1 : i32
        %get3A_553 = arith.index_cast %get3A_552 : i32 to index
        %get3A_554 = arith.index_cast %scan3A_551 : i32 to index
        %get3A_555 = arith.constant 0 : index
        %get3A_556 = tpu.vector_load %arg6[%get3A_553, %get3A_554, %get3A_555] {strides = array<i32>} : memref<4x200x64xf32, #tpu.memory_space<vmem>>, vector<1x1x16xf32>,
        %get3A_557 = vector.shape_cast %get3A_556 : vector<1x1x16xf32> to vector<16xf32>
        %add3A_558 = arith.addf %add3A_528, %get3A_557 : vector<16xf32>
        %get3A_559 = arith.constant 1 : i32
        %get3A_560 = arith.index_cast %get3A_559 : i32 to index
        %get3A_561 = arith.index_cast %scan3A_551 : i32 to index
        %get3A_562 = arith.constant 16 : index
        %get3A_563 = tpu.vector_load %arg6[%get3A_560, %get3A_561, %get3A_562] {strides = array<i32>} : memref<4x200x64xf32, #tpu.memory_space<vmem>>, vector<1x1x16xf32>,
        %get3A_564 = vector.shape_cast %get3A_563 : vector<1x1x16xf32> to vector<16xf32>
        %add3A_565 = arith.addf %add3A_535, %get3A_564 : vector<16xf32>
        %get3A_566 = arith.constant 1 : i32
        %get3A_567 = arith.index_cast %get3A_566 : i32 to index
        %get3A_568 = arith.index_cast %scan3A_551 : i32 to index
        %get3A_569 = arith.constant 32 : index
        %get3A_570 = tpu.vector_load %arg6[%get3A_567, %get3A_568, %get3A_569] {strides = array<i32>} : memref<4x200x64xf32, #tpu.memory_space<vmem>>, vector<1x1x16xf32>,
        %get3A_571 = vector.shape_cast %get3A_570 : vector<1x1x16xf32> to vector<16xf32>
        %add3A_572 = arith.addf %add3A_542, %get3A_571 : vector<16xf32>
        %get3A_573 = arith.constant 1 : i32
        %get3A_574 = arith.index_cast %get3A_573 : i32 to index
        %get3A_575 = arith.index_cast %scan3A_551 : i32 to index
        %get3A_576 = arith.constant 48 : index
        %get3A_577 = tpu.vector_load %arg6[%get3A_574, %get3A_575, %get3A_576] {strides = array<i32>} : memref<4x200x64xf32, #tpu.memory_space<vmem>>, vector<1x1x16xf32>,
        %get3A_578 = vector.shape_cast %get3A_577 : vector<1x1x16xf32> to vector<16xf32>
        %add3A_579 = arith.addf %add3A_549, %get3A_578 : vector<16xf32>
        %scan3A_580 = arith.constant 7 : i32
        %scan3A_581 = arith.addi %scan3A_368, %scan3A_580 : i32
        %get3A_582 = arith.constant 1 : i32
        %get3A_583 = arith.index_cast %get3A_582 : i32 to index
        %get3A_584 = arith.index_cast %scan3A_581 : i32 to index
        %get3A_585 = arith.constant 0 : index
        %get3A_586 = tpu.vector_load %arg6[%get3A_583, %get3A_584, %get3A_585] {strides = array<i32>} : memref<4x200x64xf32, #tpu.memory_space<vmem>>, vector<1x1x16xf32>,
        %get3A_587 = vector.shape_cast %get3A_586 : vector<1x1x16xf32> to vector<16xf32>
        %add3A_588 = arith.addf %add3A_558, %get3A_587 : vector<16xf32>
        %get3A_589 = arith.constant 1 : i32
        %get3A_590 = arith.index_cast %get3A_589 : i32 to index
        %get3A_591 = arith.index_cast %scan3A_581 : i32 to index
        %get3A_592 = arith.constant 16 : index
        %get3A_593 = tpu.vector_load %arg6[%get3A_590, %get3A_591, %get3A_592] {strides = array<i32>} : memref<4x200x64xf32, #tpu.memory_space<vmem>>, vector<1x1x16xf32>,
        %get3A_594 = vector.shape_cast %get3A_593 : vector<1x1x16xf32> to vector<16xf32>
        %add3A_595 = arith.addf %add3A_565, %get3A_594 : vector<16xf32>
        %get3A_596 = arith.constant 1 : i32
        %get3A_597 = arith.index_cast %get3A_596 : i32 to index
        %get3A_598 = arith.index_cast %scan3A_581 : i32 to index
        %get3A_599 = arith.constant 32 : index
        %get3A_600 = tpu.vector_load %arg6[%get3A_597, %get3A_598, %get3A_599] {strides = array<i32>} : memref<4x200x64xf32, #tpu.memory_space<vmem>>, vector<1x1x16xf32>,
        %get3A_601 = vector.shape_cast %get3A_600 : vector<1x1x16xf32> to vector<16xf32>
        %add3A_602 = arith.addf %add3A_572, %get3A_601 : vector<16xf32>
        %get3A_603 = arith.constant 1 : i32
        %get3A_604 = arith.index_cast %get3A_603 : i32 to index
        %get3A_605 = arith.index_cast %scan3A_581 : i32 to index
        %get3A_606 = arith.constant 48 : index
        %get3A_607 = tpu.vector_load %arg6[%get3A_604, %get3A_605, %get3A_606] {strides = array<i32>} : memref<4x200x64xf32, #tpu.memory_space<vmem>>, vector<1x1x16xf32>,
        %get3A_608 = vector.shape_cast %get3A_607 : vector<1x1x16xf32> to vector<16xf32>
        %add3A_609 = arith.addf %add3A_579, %get3A_608 : vector<16xf32>
        scf.yield %add3A_588, %add3A_595, %add3A_602, %add3A_609 : vector<16xf32>, vector<16xf32>, vector<16xf32>, vector<16xf32>
      }
      %scan3A_206 = arith.constant 200 : i32
      %swap3A_207 = arith.index_cast %add3A_170 : i32 to index
      %swap3A_208 = arith.constant 0 : index
      %swap3A_209 = tpu.vector_load %arg7[%swap3A_207, %swap3A_208] {strides = array<i32>} : memref<128x64xf32, #tpu.memory_space<vmem>>, vector<1x16xf32>,
      %swap3A_210 = vector.shape_cast %swap3A_209 : vector<1x16xf32> to vector<16xf32>
      %swap3A_211 = vector.shape_cast %scan3A_205#0 : vector<16xf32> to vector<1x16xf32>
      tpu.vector_store %arg7[%swap3A_207, %swap3A_208], %swap3A_211 {strides = array<i32>} : memref<128x64xf32, #tpu.memory_space<vmem>>, vector<1x16xf32>,
      %swap3A_212 = arith.index_cast %add3A_170 : i32 to index
      %swap3A_213 = arith.constant 16 : index
      %swap3A_214 = tpu.vector_load %arg7[%swap3A_212, %swap3A_213] {strides = array<i32>} : memref<128x64xf32, #tpu.memory_space<vmem>>, vector<1x16xf32>,
      %swap3A_215 = vector.shape_cast %swap3A_214 : vector<1x16xf32> to vector<16xf32>
      %swap3A_216 = vector.shape_cast %scan3A_205#1 : vector<16xf32> to vector<1x16xf32>
      tpu.vector_store %arg7[%swap3A_212, %swap3A_213], %swap3A_216 {strides = array<i32>} : memref<128x64xf32, #tpu.memory_space<vmem>>, vector<1x16xf32>,
      %swap3A_217 = arith.index_cast %add3A_170 : i32 to index
      %swap3A_218 = arith.constant 32 : index
      %swap3A_219 = tpu.vector_load %arg7[%swap3A_217, %swap3A_218] {strides = array<i32>} : memref<128x64xf32, #tpu.memory_space<vmem>>, vector<1x16xf32>,
      %swap3A_220 = vector.shape_cast %swap3A_219 : vector<1x16xf32> to vector<16xf32>
      %swap3A_221 = vector.shape_cast %scan3A_205#2 : vector<16xf32> to vector<1x16xf32>
      tpu.vector_store %arg7[%swap3A_217, %swap3A_218], %swap3A_221 {strides = array<i32>} : memref<128x64xf32, #tpu.memory_space<vmem>>, vector<1x16xf32>,
      %swap3A_222 = arith.index_cast %add3A_170 : i32 to index
      %swap3A_223 = arith.constant 48 : index
      %swap3A_224 = tpu.vector_load %arg7[%swap3A_222, %swap3A_223] {strides = array<i32>} : memref<128x64xf32, #tpu.memory_space<vmem>>, vector<1x16xf32>,
      %swap3A_225 = vector.shape_cast %swap3A_224 : vector<1x16xf32> to vector<16xf32>
      %swap3A_226 = vector.shape_cast %scan3A_205#3 : vector<16xf32> to vector<1x16xf32>
      tpu.vector_store %arg7[%swap3A_222, %swap3A_223], %swap3A_226 {strides = array<i32>} : memref<128x64xf32, #tpu.memory_space<vmem>>, vector<1x16xf32>,
      %add3A_227 = arith.constant 4 : i32
      %add3A_228 = arith.addi %add3A_170, %add3A_227 : i32
      %lt3A_229 = arith.constant 128 : i32
      %lt3A_230 = arith.cmpi slt, %add3A_228, %lt3A_229 : i32
      %convert_element_type3A_231 = arith.extui %lt3A_230 : i1 to i32
      %cond3A_232 = arith.constant 0 : i32
      %cond3A_233 = arith.cmpi ne, %convert_element_type3A_231, %cond3A_232 : i32
      scf.if %cond3A_233 {
        %dma_start3A_368 = arith.constant 1 : i32
        %dma_start3A_369 = arith.constant 0 : i32
        %dma_start3A_370 = arith.constant 0 : i32
        %dma_start3A_371 = tpu.memref_slice %arg6[%dma_start3A_368, %dma_start3A_369, %dma_start3A_370] : memref<4x200x64xf32, #tpu.memory_space<vmem>> -> memref<1x96x64xf32, #tpu.memory_space<vmem>>
        %dma_start3A_372 = tpu.memref_squeeze %dma_start3A_371 : memref<1x96x64xf32, #tpu.memory_space<vmem>> -> memref<96x64xf32, #tpu.memory_space<vmem>>
        %dma_start3A_373 = arith.constant 0 : i32
        %dma_start3A_374 = tpu.memref_slice %arg5[%add3A_228, %dma_start3A_373] : memref<128x200xi32, #tpu.memory_space<vmem>> -> memref<1x96xi32, #tpu.memory_space<vmem>>
        %dma_start3A_375 = tpu.memref_squeeze %dma_start3A_374 : memref<1x96xi32, #tpu.memory_space<vmem>> -> memref<96xi32, #tpu.memory_space<vmem>>
        %dma_start3A_376 = arith.constant 0 : i32
        %dma_start3A_377 = arith.constant 0 : i32
        %dma_start3A_378 = tpu.memref_slice %arg3[%dma_start3A_376, %dma_start3A_377] : memref<1000000x64xf32, #tpu.memory_space<hbm>> -> memref<1000000x64xf32, #tpu.memory_space<hbm>>
        tpu.enqueue_indirect_dma source(%dma_start3A_378 : memref<1000000x64xf32, #tpu.memory_space<hbm>>) target(%dma_start3A_372 : memref<96x64xf32, #tpu.memory_space<vmem>>) offsets(%dma_start3A_375 : memref<96xi32, #tpu.memory_space<vmem>>) semaphore(%arg9 : memref<!tpu.dma_semaphore, #tpu.memory_space<semaphore_mem>>)
        %dma_start3A_379 = arith.constant 1 : i32
        %dma_start3A_380 = arith.constant 96 : i32
        %dma_start3A_381 = arith.constant 0 : i32
        %dma_start3A_382 = tpu.memref_slice %arg6[%dma_start3A_379, %dma_start3A_380, %dma_start3A_381] : memref<4x200x64xf32, #tpu.memory_space<vmem>> -> memref<1x104x64xf32, #tpu.memory_space<vmem>>
        %dma_start3A_383 = tpu.memref_squeeze %dma_start3A_382 : memref<1x104x64xf32, #tpu.memory_space<vmem>> -> memref<104x64xf32, #tpu.memory_space<vmem>>
        %dma_start3A_384 = arith.constant 96 : i32
        %dma_start3A_385 = tpu.memref_slice %arg5[%add3A_228, %dma_start3A_384] : memref<128x200xi32, #tpu.memory_space<vmem>> -> memref<1x104xi32, #tpu.memory_space<vmem>>
        %dma_start3A_386 = tpu.memref_squeeze %dma_start3A_385 : memref<1x104xi32, #tpu.memory_space<vmem>> -> memref<104xi32, #tpu.memory_space<vmem>>
        %dma_start3A_387 = arith.constant 0 : i32
        %dma_start3A_388 = arith.constant 0 : i32
        %dma_start3A_389 = tpu.memref_slice %arg3[%dma_start3A_387, %dma_start3A_388] : memref<1000000x64xf32, #tpu.memory_space<hbm>> -> memref<1000000x64xf32, #tpu.memory_space<hbm>>
        tpu.enqueue_indirect_dma source(%dma_start3A_389 : memref<1000000x64xf32, #tpu.memory_space<hbm>>) target(%dma_start3A_383 : memref<104x64xf32, #tpu.memory_space<vmem>>) offsets(%dma_start3A_386 : memref<104xi32, #tpu.memory_space<vmem>>) semaphore(%arg9 : memref<!tpu.dma_semaphore, #tpu.memory_space<semaphore_mem>>)
      } else {
      }
      %mul3A_234 = arith.constant 4 : i32
      %mul3A_235 = arith.muli %mul3A_234, %scan3A_105 : i32
      %add3A_236 = arith.constant 2 : i32
      %add3A_237 = arith.addi %mul3A_235, %add3A_236 : i32
      %dma_wait3A_238 = arith.constant 2 : i32
      %dma_wait3A_239 = arith.constant 0 : i32
      %dma_wait3A_240 = arith.constant 0 : i32
      %dma_wait3A_241 = tpu.memref_slice %arg6[%dma_wait3A_238, %dma_wait3A_239, %dma_wait3A_240] : memref<4x200x64xf32, #tpu.memory_space<vmem>> -> memref<1x96x64xf32, #tpu.memory_space<vmem>>
      %dma_wait3A_242 = tpu.memref_squeeze %dma_wait3A_241 : memref<1x96x64xf32, #tpu.memory_space<vmem>> -> memref<96x64xf32, #tpu.memory_space<vmem>>
      %dma_wait3A_243 = arith.constant 0 : i32
      %dma_wait3A_244 = tpu.memref_slice %arg5[%add3A_237, %dma_wait3A_243] : memref<128x200xi32, #tpu.memory_space<vmem>> -> memref<1x96xi32, #tpu.memory_space<vmem>>
      %dma_wait3A_245 = tpu.memref_squeeze %dma_wait3A_244 : memref<1x96xi32, #tpu.memory_space<vmem>> -> memref<96xi32, #tpu.memory_space<vmem>>
      %dma_wait3A_246 = arith.constant 0 : i32
      %dma_wait3A_247 = arith.constant 0 : i32
      %dma_wait3A_248 = tpu.memref_slice %arg3[%dma_wait3A_246, %dma_wait3A_247] : memref<1000000x64xf32, #tpu.memory_space<hbm>> -> memref<1000000x64xf32, #tpu.memory_space<hbm>>
      tpu.wait_indirect_dma semaphore(%arg10 : memref<!tpu.dma_semaphore, #tpu.memory_space<semaphore_mem>>) src(%dma_wait3A_248 : memref<1000000x64xf32, #tpu.memory_space<hbm>>) dst(%dma_wait3A_242 : memref<96x64xf32, #tpu.memory_space<vmem>>)
      %dma_wait3A_249 = arith.constant 2 : i32
      %dma_wait3A_250 = arith.constant 96 : i32
      %dma_wait3A_251 = arith.constant 0 : i32
      %dma_wait3A_252 = tpu.memref_slice %arg6[%dma_wait3A_249, %dma_wait3A_250, %dma_wait3A_251] : memref<4x200x64xf32, #tpu.memory_space<vmem>> -> memref<1x104x64xf32, #tpu.memory_space<vmem>>
      %dma_wait3A_253 = tpu.memref_squeeze %dma_wait3A_252 : memref<1x104x64xf32, #tpu.memory_space<vmem>> -> memref<104x64xf32, #tpu.memory_space<vmem>>
      %dma_wait3A_254 = arith.constant 96 : i32
      %dma_wait3A_255 = tpu.memref_slice %arg5[%add3A_237, %dma_wait3A_254] : memref<128x200xi32, #tpu.memory_space<vmem>> -> memref<1x104xi32, #tpu.memory_space<vmem>>
      %dma_wait3A_256 = tpu.memref_squeeze %dma_wait3A_255 : memref<1x104xi32, #tpu.memory_space<vmem>> -> memref<104xi32, #tpu.memory_space<vmem>>
      %dma_wait3A_257 = arith.constant 0 : i32
      %dma_wait3A_258 = arith.constant 0 : i32
      %dma_wait3A_259 = tpu.memref_slice %arg3[%dma_wait3A_257, %dma_wait3A_258] : memref<1000000x64xf32, #tpu.memory_space<hbm>> -> memref<1000000x64xf32, #tpu.memory_space<hbm>>
      tpu.wait_indirect_dma semaphore(%arg10 : memref<!tpu.dma_semaphore, #tpu.memory_space<semaphore_mem>>) src(%dma_wait3A_259 : memref<1000000x64xf32, #tpu.memory_space<hbm>>) dst(%dma_wait3A_253 : memref<104x64xf32, #tpu.memory_space<vmem>>)
      %broadcast_in_dim3A_260 = arith.constant 0.000000e+00 : f32
      %broadcast_in_dim3A_261 = vector.broadcast %broadcast_in_dim3A_260 : f32 to vector<16xf32>
      %broadcast_in_dim3A_262 = arith.constant 0.000000e+00 : f32
      %broadcast_in_dim3A_263 = vector.broadcast %broadcast_in_dim3A_262 : f32 to vector<16xf32>
      %broadcast_in_dim3A_264 = arith.constant 0.000000e+00 : f32
      %broadcast_in_dim3A_265 = vector.broadcast %broadcast_in_dim3A_264 : f32 to vector<16xf32>
      %broadcast_in_dim3A_266 = arith.constant 0.000000e+00 : f32
      %broadcast_in_dim3A_267 = vector.broadcast %broadcast_in_dim3A_266 : f32 to vector<16xf32>
      %scan3A_268 = arith.constant 0 : i32
      %scan3A_269 = arith.constant 200 : i32
      %scan3A_270 = arith.addi %scan3A_268, %scan3A_269 : i32
      %scan3A_271 = arith.constant 8 : i32
      %scan3A_272:4 = scf.for %scan3A_368 = %scan3A_268 to %scan3A_270 step %scan3A_271 iter_args(%scan3A_369 = %broadcast_in_dim3A_261, %scan3A_370 = %broadcast_in_dim3A_263, %scan3A_371 = %broadcast_in_dim3A_265, %scan3A_372 = %broadcast_in_dim3A_267) -> (vector<16xf32>, vector<16xf32>, vector<16xf32>, vector<16xf32>)  : i32 {
        %get3A = arith.constant 2 : i32
        %get3A_373 = arith.index_cast %get3A : i32 to index
        %get3A_374 = arith.index_cast %scan3A_368 : i32 to index
        %get3A_375 = arith.constant 0 : index
        %get3A_376 = tpu.vector_load %arg6[%get3A_373, %get3A_374, %get3A_375] {strides = array<i32>} : memref<4x200x64xf32, #tpu.memory_space<vmem>>, vector<1x1x16xf32>,
        %get3A_377 = vector.shape_cast %get3A_376 : vector<1x1x16xf32> to vector<16xf32>
        %add3A_378 = arith.addf %scan3A_369, %get3A_377 : vector<16xf32>
        %get3A_379 = arith.constant 2 : i32
        %get3A_380 = arith.index_cast %get3A_379 : i32 to index
        %get3A_381 = arith.index_cast %scan3A_368 : i32 to index
        %get3A_382 = arith.constant 16 : index
        %get3A_383 = tpu.vector_load %arg6[%get3A_380, %get3A_381, %get3A_382] {strides = array<i32>} : memref<4x200x64xf32, #tpu.memory_space<vmem>>, vector<1x1x16xf32>,
        %get3A_384 = vector.shape_cast %get3A_383 : vector<1x1x16xf32> to vector<16xf32>
        %add3A_385 = arith.addf %scan3A_370, %get3A_384 : vector<16xf32>
        %get3A_386 = arith.constant 2 : i32
        %get3A_387 = arith.index_cast %get3A_386 : i32 to index
        %get3A_388 = arith.index_cast %scan3A_368 : i32 to index
        %get3A_389 = arith.constant 32 : index
        %get3A_390 = tpu.vector_load %arg6[%get3A_387, %get3A_388, %get3A_389] {strides = array<i32>} : memref<4x200x64xf32, #tpu.memory_space<vmem>>, vector<1x1x16xf32>,
        %get3A_391 = vector.shape_cast %get3A_390 : vector<1x1x16xf32> to vector<16xf32>
        %add3A_392 = arith.addf %scan3A_371, %get3A_391 : vector<16xf32>
        %get3A_393 = arith.constant 2 : i32
        %get3A_394 = arith.index_cast %get3A_393 : i32 to index
        %get3A_395 = arith.index_cast %scan3A_368 : i32 to index
        %get3A_396 = arith.constant 48 : index
        %get3A_397 = tpu.vector_load %arg6[%get3A_394, %get3A_395, %get3A_396] {strides = array<i32>} : memref<4x200x64xf32, #tpu.memory_space<vmem>>, vector<1x1x16xf32>,
        %get3A_398 = vector.shape_cast %get3A_397 : vector<1x1x16xf32> to vector<16xf32>
        %add3A_399 = arith.addf %scan3A_372, %get3A_398 : vector<16xf32>
        %scan3A_400 = arith.constant 1 : i32
        %scan3A_401 = arith.addi %scan3A_368, %scan3A_400 : i32
        %get3A_402 = arith.constant 2 : i32
        %get3A_403 = arith.index_cast %get3A_402 : i32 to index
        %get3A_404 = arith.index_cast %scan3A_401 : i32 to index
        %get3A_405 = arith.constant 0 : index
        %get3A_406 = tpu.vector_load %arg6[%get3A_403, %get3A_404, %get3A_405] {strides = array<i32>} : memref<4x200x64xf32, #tpu.memory_space<vmem>>, vector<1x1x16xf32>,
        %get3A_407 = vector.shape_cast %get3A_406 : vector<1x1x16xf32> to vector<16xf32>
        %add3A_408 = arith.addf %add3A_378, %get3A_407 : vector<16xf32>
        %get3A_409 = arith.constant 2 : i32
        %get3A_410 = arith.index_cast %get3A_409 : i32 to index
        %get3A_411 = arith.index_cast %scan3A_401 : i32 to index
        %get3A_412 = arith.constant 16 : index
        %get3A_413 = tpu.vector_load %arg6[%get3A_410, %get3A_411, %get3A_412] {strides = array<i32>} : memref<4x200x64xf32, #tpu.memory_space<vmem>>, vector<1x1x16xf32>,
        %get3A_414 = vector.shape_cast %get3A_413 : vector<1x1x16xf32> to vector<16xf32>
        %add3A_415 = arith.addf %add3A_385, %get3A_414 : vector<16xf32>
        %get3A_416 = arith.constant 2 : i32
        %get3A_417 = arith.index_cast %get3A_416 : i32 to index
        %get3A_418 = arith.index_cast %scan3A_401 : i32 to index
        %get3A_419 = arith.constant 32 : index
        %get3A_420 = tpu.vector_load %arg6[%get3A_417, %get3A_418, %get3A_419] {strides = array<i32>} : memref<4x200x64xf32, #tpu.memory_space<vmem>>, vector<1x1x16xf32>,
        %get3A_421 = vector.shape_cast %get3A_420 : vector<1x1x16xf32> to vector<16xf32>
        %add3A_422 = arith.addf %add3A_392, %get3A_421 : vector<16xf32>
        %get3A_423 = arith.constant 2 : i32
        %get3A_424 = arith.index_cast %get3A_423 : i32 to index
        %get3A_425 = arith.index_cast %scan3A_401 : i32 to index
        %get3A_426 = arith.constant 48 : index
        %get3A_427 = tpu.vector_load %arg6[%get3A_424, %get3A_425, %get3A_426] {strides = array<i32>} : memref<4x200x64xf32, #tpu.memory_space<vmem>>, vector<1x1x16xf32>,
        %get3A_428 = vector.shape_cast %get3A_427 : vector<1x1x16xf32> to vector<16xf32>
        %add3A_429 = arith.addf %add3A_399, %get3A_428 : vector<16xf32>
        %scan3A_430 = arith.constant 2 : i32
        %scan3A_431 = arith.addi %scan3A_368, %scan3A_430 : i32
        %get3A_432 = arith.constant 2 : i32
        %get3A_433 = arith.index_cast %get3A_432 : i32 to index
        %get3A_434 = arith.index_cast %scan3A_431 : i32 to index
        %get3A_435 = arith.constant 0 : index
        %get3A_436 = tpu.vector_load %arg6[%get3A_433, %get3A_434, %get3A_435] {strides = array<i32>} : memref<4x200x64xf32, #tpu.memory_space<vmem>>, vector<1x1x16xf32>,
        %get3A_437 = vector.shape_cast %get3A_436 : vector<1x1x16xf32> to vector<16xf32>
        %add3A_438 = arith.addf %add3A_408, %get3A_437 : vector<16xf32>
        %get3A_439 = arith.constant 2 : i32
        %get3A_440 = arith.index_cast %get3A_439 : i32 to index
        %get3A_441 = arith.index_cast %scan3A_431 : i32 to index
        %get3A_442 = arith.constant 16 : index
        %get3A_443 = tpu.vector_load %arg6[%get3A_440, %get3A_441, %get3A_442] {strides = array<i32>} : memref<4x200x64xf32, #tpu.memory_space<vmem>>, vector<1x1x16xf32>,
        %get3A_444 = vector.shape_cast %get3A_443 : vector<1x1x16xf32> to vector<16xf32>
        %add3A_445 = arith.addf %add3A_415, %get3A_444 : vector<16xf32>
        %get3A_446 = arith.constant 2 : i32
        %get3A_447 = arith.index_cast %get3A_446 : i32 to index
        %get3A_448 = arith.index_cast %scan3A_431 : i32 to index
        %get3A_449 = arith.constant 32 : index
        %get3A_450 = tpu.vector_load %arg6[%get3A_447, %get3A_448, %get3A_449] {strides = array<i32>} : memref<4x200x64xf32, #tpu.memory_space<vmem>>, vector<1x1x16xf32>,
        %get3A_451 = vector.shape_cast %get3A_450 : vector<1x1x16xf32> to vector<16xf32>
        %add3A_452 = arith.addf %add3A_422, %get3A_451 : vector<16xf32>
        %get3A_453 = arith.constant 2 : i32
        %get3A_454 = arith.index_cast %get3A_453 : i32 to index
        %get3A_455 = arith.index_cast %scan3A_431 : i32 to index
        %get3A_456 = arith.constant 48 : index
        %get3A_457 = tpu.vector_load %arg6[%get3A_454, %get3A_455, %get3A_456] {strides = array<i32>} : memref<4x200x64xf32, #tpu.memory_space<vmem>>, vector<1x1x16xf32>,
        %get3A_458 = vector.shape_cast %get3A_457 : vector<1x1x16xf32> to vector<16xf32>
        %add3A_459 = arith.addf %add3A_429, %get3A_458 : vector<16xf32>
        %scan3A_460 = arith.constant 3 : i32
        %scan3A_461 = arith.addi %scan3A_368, %scan3A_460 : i32
        %get3A_462 = arith.constant 2 : i32
        %get3A_463 = arith.index_cast %get3A_462 : i32 to index
        %get3A_464 = arith.index_cast %scan3A_461 : i32 to index
        %get3A_465 = arith.constant 0 : index
        %get3A_466 = tpu.vector_load %arg6[%get3A_463, %get3A_464, %get3A_465] {strides = array<i32>} : memref<4x200x64xf32, #tpu.memory_space<vmem>>, vector<1x1x16xf32>,
        %get3A_467 = vector.shape_cast %get3A_466 : vector<1x1x16xf32> to vector<16xf32>
        %add3A_468 = arith.addf %add3A_438, %get3A_467 : vector<16xf32>
        %get3A_469 = arith.constant 2 : i32
        %get3A_470 = arith.index_cast %get3A_469 : i32 to index
        %get3A_471 = arith.index_cast %scan3A_461 : i32 to index
        %get3A_472 = arith.constant 16 : index
        %get3A_473 = tpu.vector_load %arg6[%get3A_470, %get3A_471, %get3A_472] {strides = array<i32>} : memref<4x200x64xf32, #tpu.memory_space<vmem>>, vector<1x1x16xf32>,
        %get3A_474 = vector.shape_cast %get3A_473 : vector<1x1x16xf32> to vector<16xf32>
        %add3A_475 = arith.addf %add3A_445, %get3A_474 : vector<16xf32>
        %get3A_476 = arith.constant 2 : i32
        %get3A_477 = arith.index_cast %get3A_476 : i32 to index
        %get3A_478 = arith.index_cast %scan3A_461 : i32 to index
        %get3A_479 = arith.constant 32 : index
        %get3A_480 = tpu.vector_load %arg6[%get3A_477, %get3A_478, %get3A_479] {strides = array<i32>} : memref<4x200x64xf32, #tpu.memory_space<vmem>>, vector<1x1x16xf32>,
        %get3A_481 = vector.shape_cast %get3A_480 : vector<1x1x16xf32> to vector<16xf32>
        %add3A_482 = arith.addf %add3A_452, %get3A_481 : vector<16xf32>
        %get3A_483 = arith.constant 2 : i32
        %get3A_484 = arith.index_cast %get3A_483 : i32 to index
        %get3A_485 = arith.index_cast %scan3A_461 : i32 to index
        %get3A_486 = arith.constant 48 : index
        %get3A_487 = tpu.vector_load %arg6[%get3A_484, %get3A_485, %get3A_486] {strides = array<i32>} : memref<4x200x64xf32, #tpu.memory_space<vmem>>, vector<1x1x16xf32>,
        %get3A_488 = vector.shape_cast %get3A_487 : vector<1x1x16xf32> to vector<16xf32>
        %add3A_489 = arith.addf %add3A_459, %get3A_488 : vector<16xf32>
        %scan3A_490 = arith.constant 4 : i32
        %scan3A_491 = arith.addi %scan3A_368, %scan3A_490 : i32
        %get3A_492 = arith.constant 2 : i32
        %get3A_493 = arith.index_cast %get3A_492 : i32 to index
        %get3A_494 = arith.index_cast %scan3A_491 : i32 to index
        %get3A_495 = arith.constant 0 : index
        %get3A_496 = tpu.vector_load %arg6[%get3A_493, %get3A_494, %get3A_495] {strides = array<i32>} : memref<4x200x64xf32, #tpu.memory_space<vmem>>, vector<1x1x16xf32>,
        %get3A_497 = vector.shape_cast %get3A_496 : vector<1x1x16xf32> to vector<16xf32>
        %add3A_498 = arith.addf %add3A_468, %get3A_497 : vector<16xf32>
        %get3A_499 = arith.constant 2 : i32
        %get3A_500 = arith.index_cast %get3A_499 : i32 to index
        %get3A_501 = arith.index_cast %scan3A_491 : i32 to index
        %get3A_502 = arith.constant 16 : index
        %get3A_503 = tpu.vector_load %arg6[%get3A_500, %get3A_501, %get3A_502] {strides = array<i32>} : memref<4x200x64xf32, #tpu.memory_space<vmem>>, vector<1x1x16xf32>,
        %get3A_504 = vector.shape_cast %get3A_503 : vector<1x1x16xf32> to vector<16xf32>
        %add3A_505 = arith.addf %add3A_475, %get3A_504 : vector<16xf32>
        %get3A_506 = arith.constant 2 : i32
        %get3A_507 = arith.index_cast %get3A_506 : i32 to index
        %get3A_508 = arith.index_cast %scan3A_491 : i32 to index
        %get3A_509 = arith.constant 32 : index
        %get3A_510 = tpu.vector_load %arg6[%get3A_507, %get3A_508, %get3A_509] {strides = array<i32>} : memref<4x200x64xf32, #tpu.memory_space<vmem>>, vector<1x1x16xf32>,
        %get3A_511 = vector.shape_cast %get3A_510 : vector<1x1x16xf32> to vector<16xf32>
        %add3A_512 = arith.addf %add3A_482, %get3A_511 : vector<16xf32>
        %get3A_513 = arith.constant 2 : i32
        %get3A_514 = arith.index_cast %get3A_513 : i32 to index
        %get3A_515 = arith.index_cast %scan3A_491 : i32 to index
        %get3A_516 = arith.constant 48 : index
        %get3A_517 = tpu.vector_load %arg6[%get3A_514, %get3A_515, %get3A_516] {strides = array<i32>} : memref<4x200x64xf32, #tpu.memory_space<vmem>>, vector<1x1x16xf32>,
        %get3A_518 = vector.shape_cast %get3A_517 : vector<1x1x16xf32> to vector<16xf32>
        %add3A_519 = arith.addf %add3A_489, %get3A_518 : vector<16xf32>
        %scan3A_520 = arith.constant 5 : i32
        %scan3A_521 = arith.addi %scan3A_368, %scan3A_520 : i32
        %get3A_522 = arith.constant 2 : i32
        %get3A_523 = arith.index_cast %get3A_522 : i32 to index
        %get3A_524 = arith.index_cast %scan3A_521 : i32 to index
        %get3A_525 = arith.constant 0 : index
        %get3A_526 = tpu.vector_load %arg6[%get3A_523, %get3A_524, %get3A_525] {strides = array<i32>} : memref<4x200x64xf32, #tpu.memory_space<vmem>>, vector<1x1x16xf32>,
        %get3A_527 = vector.shape_cast %get3A_526 : vector<1x1x16xf32> to vector<16xf32>
        %add3A_528 = arith.addf %add3A_498, %get3A_527 : vector<16xf32>
        %get3A_529 = arith.constant 2 : i32
        %get3A_530 = arith.index_cast %get3A_529 : i32 to index
        %get3A_531 = arith.index_cast %scan3A_521 : i32 to index
        %get3A_532 = arith.constant 16 : index
        %get3A_533 = tpu.vector_load %arg6[%get3A_530, %get3A_531, %get3A_532] {strides = array<i32>} : memref<4x200x64xf32, #tpu.memory_space<vmem>>, vector<1x1x16xf32>,
        %get3A_534 = vector.shape_cast %get3A_533 : vector<1x1x16xf32> to vector<16xf32>
        %add3A_535 = arith.addf %add3A_505, %get3A_534 : vector<16xf32>
        %get3A_536 = arith.constant 2 : i32
        %get3A_537 = arith.index_cast %get3A_536 : i32 to index
        %get3A_538 = arith.index_cast %scan3A_521 : i32 to index
        %get3A_539 = arith.constant 32 : index
        %get3A_540 = tpu.vector_load %arg6[%get3A_537, %get3A_538, %get3A_539] {strides = array<i32>} : memref<4x200x64xf32, #tpu.memory_space<vmem>>, vector<1x1x16xf32>,
        %get3A_541 = vector.shape_cast %get3A_540 : vector<1x1x16xf32> to vector<16xf32>
        %add3A_542 = arith.addf %add3A_512, %get3A_541 : vector<16xf32>
        %get3A_543 = arith.constant 2 : i32
        %get3A_544 = arith.index_cast %get3A_543 : i32 to index
        %get3A_545 = arith.index_cast %scan3A_521 : i32 to index
        %get3A_546 = arith.constant 48 : index
        %get3A_547 = tpu.vector_load %arg6[%get3A_544, %get3A_545, %get3A_546] {strides = array<i32>} : memref<4x200x64xf32, #tpu.memory_space<vmem>>, vector<1x1x16xf32>,
        %get3A_548 = vector.shape_cast %get3A_547 : vector<1x1x16xf32> to vector<16xf32>
        %add3A_549 = arith.addf %add3A_519, %get3A_548 : vector<16xf32>
        %scan3A_550 = arith.constant 6 : i32
        %scan3A_551 = arith.addi %scan3A_368, %scan3A_550 : i32
        %get3A_552 = arith.constant 2 : i32
        %get3A_553 = arith.index_cast %get3A_552 : i32 to index
        %get3A_554 = arith.index_cast %scan3A_551 : i32 to index
        %get3A_555 = arith.constant 0 : index
        %get3A_556 = tpu.vector_load %arg6[%get3A_553, %get3A_554, %get3A_555] {strides = array<i32>} : memref<4x200x64xf32, #tpu.memory_space<vmem>>, vector<1x1x16xf32>,
        %get3A_557 = vector.shape_cast %get3A_556 : vector<1x1x16xf32> to vector<16xf32>
        %add3A_558 = arith.addf %add3A_528, %get3A_557 : vector<16xf32>
        %get3A_559 = arith.constant 2 : i32
        %get3A_560 = arith.index_cast %get3A_559 : i32 to index
        %get3A_561 = arith.index_cast %scan3A_551 : i32 to index
        %get3A_562 = arith.constant 16 : index
        %get3A_563 = tpu.vector_load %arg6[%get3A_560, %get3A_561, %get3A_562] {strides = array<i32>} : memref<4x200x64xf32, #tpu.memory_space<vmem>>, vector<1x1x16xf32>,
        %get3A_564 = vector.shape_cast %get3A_563 : vector<1x1x16xf32> to vector<16xf32>
        %add3A_565 = arith.addf %add3A_535, %get3A_564 : vector<16xf32>
        %get3A_566 = arith.constant 2 : i32
        %get3A_567 = arith.index_cast %get3A_566 : i32 to index
        %get3A_568 = arith.index_cast %scan3A_551 : i32 to index
        %get3A_569 = arith.constant 32 : index
        %get3A_570 = tpu.vector_load %arg6[%get3A_567, %get3A_568, %get3A_569] {strides = array<i32>} : memref<4x200x64xf32, #tpu.memory_space<vmem>>, vector<1x1x16xf32>,
        %get3A_571 = vector.shape_cast %get3A_570 : vector<1x1x16xf32> to vector<16xf32>
        %add3A_572 = arith.addf %add3A_542, %get3A_571 : vector<16xf32>
        %get3A_573 = arith.constant 2 : i32
        %get3A_574 = arith.index_cast %get3A_573 : i32 to index
        %get3A_575 = arith.index_cast %scan3A_551 : i32 to index
        %get3A_576 = arith.constant 48 : index
        %get3A_577 = tpu.vector_load %arg6[%get3A_574, %get3A_575, %get3A_576] {strides = array<i32>} : memref<4x200x64xf32, #tpu.memory_space<vmem>>, vector<1x1x16xf32>,
        %get3A_578 = vector.shape_cast %get3A_577 : vector<1x1x16xf32> to vector<16xf32>
        %add3A_579 = arith.addf %add3A_549, %get3A_578 : vector<16xf32>
        %scan3A_580 = arith.constant 7 : i32
        %scan3A_581 = arith.addi %scan3A_368, %scan3A_580 : i32
        %get3A_582 = arith.constant 2 : i32
        %get3A_583 = arith.index_cast %get3A_582 : i32 to index
        %get3A_584 = arith.index_cast %scan3A_581 : i32 to index
        %get3A_585 = arith.constant 0 : index
        %get3A_586 = tpu.vector_load %arg6[%get3A_583, %get3A_584, %get3A_585] {strides = array<i32>} : memref<4x200x64xf32, #tpu.memory_space<vmem>>, vector<1x1x16xf32>,
        %get3A_587 = vector.shape_cast %get3A_586 : vector<1x1x16xf32> to vector<16xf32>
        %add3A_588 = arith.addf %add3A_558, %get3A_587 : vector<16xf32>
        %get3A_589 = arith.constant 2 : i32
        %get3A_590 = arith.index_cast %get3A_589 : i32 to index
        %get3A_591 = arith.index_cast %scan3A_581 : i32 to index
        %get3A_592 = arith.constant 16 : index
        %get3A_593 = tpu.vector_load %arg6[%get3A_590, %get3A_591, %get3A_592] {strides = array<i32>} : memref<4x200x64xf32, #tpu.memory_space<vmem>>, vector<1x1x16xf32>,
        %get3A_594 = vector.shape_cast %get3A_593 : vector<1x1x16xf32> to vector<16xf32>
        %add3A_595 = arith.addf %add3A_565, %get3A_594 : vector<16xf32>
        %get3A_596 = arith.constant 2 : i32
        %get3A_597 = arith.index_cast %get3A_596 : i32 to index
        %get3A_598 = arith.index_cast %scan3A_581 : i32 to index
        %get3A_599 = arith.constant 32 : index
        %get3A_600 = tpu.vector_load %arg6[%get3A_597, %get3A_598, %get3A_599] {strides = array<i32>} : memref<4x200x64xf32, #tpu.memory_space<vmem>>, vector<1x1x16xf32>,
        %get3A_601 = vector.shape_cast %get3A_600 : vector<1x1x16xf32> to vector<16xf32>
        %add3A_602 = arith.addf %add3A_572, %get3A_601 : vector<16xf32>
        %get3A_603 = arith.constant 2 : i32
        %get3A_604 = arith.index_cast %get3A_603 : i32 to index
        %get3A_605 = arith.index_cast %scan3A_581 : i32 to index
        %get3A_606 = arith.constant 48 : index
        %get3A_607 = tpu.vector_load %arg6[%get3A_604, %get3A_605, %get3A_606] {strides = array<i32>} : memref<4x200x64xf32, #tpu.memory_space<vmem>>, vector<1x1x16xf32>,
        %get3A_608 = vector.shape_cast %get3A_607 : vector<1x1x16xf32> to vector<16xf32>
        %add3A_609 = arith.addf %add3A_579, %get3A_608 : vector<16xf32>
        scf.yield %add3A_588, %add3A_595, %add3A_602, %add3A_609 : vector<16xf32>, vector<16xf32>, vector<16xf32>, vector<16xf32>
      }
      %scan3A_273 = arith.constant 200 : i32
      %swap3A_274 = arith.index_cast %add3A_237 : i32 to index
      %swap3A_275 = arith.constant 0 : index
      %swap3A_276 = tpu.vector_load %arg7[%swap3A_274, %swap3A_275] {strides = array<i32>} : memref<128x64xf32, #tpu.memory_space<vmem>>, vector<1x16xf32>,
      %swap3A_277 = vector.shape_cast %swap3A_276 : vector<1x16xf32> to vector<16xf32>
      %swap3A_278 = vector.shape_cast %scan3A_272#0 : vector<16xf32> to vector<1x16xf32>
      tpu.vector_store %arg7[%swap3A_274, %swap3A_275], %swap3A_278 {strides = array<i32>} : memref<128x64xf32, #tpu.memory_space<vmem>>, vector<1x16xf32>,
      %swap3A_279 = arith.index_cast %add3A_237 : i32 to index
      %swap3A_280 = arith.constant 16 : index
      %swap3A_281 = tpu.vector_load %arg7[%swap3A_279, %swap3A_280] {strides = array<i32>} : memref<128x64xf32, #tpu.memory_space<vmem>>, vector<1x16xf32>,
      %swap3A_282 = vector.shape_cast %swap3A_281 : vector<1x16xf32> to vector<16xf32>
      %swap3A_283 = vector.shape_cast %scan3A_272#1 : vector<16xf32> to vector<1x16xf32>
      tpu.vector_store %arg7[%swap3A_279, %swap3A_280], %swap3A_283 {strides = array<i32>} : memref<128x64xf32, #tpu.memory_space<vmem>>, vector<1x16xf32>,
      %swap3A_284 = arith.index_cast %add3A_237 : i32 to index
      %swap3A_285 = arith.constant 32 : index
      %swap3A_286 = tpu.vector_load %arg7[%swap3A_284, %swap3A_285] {strides = array<i32>} : memref<128x64xf32, #tpu.memory_space<vmem>>, vector<1x16xf32>,
      %swap3A_287 = vector.shape_cast %swap3A_286 : vector<1x16xf32> to vector<16xf32>
      %swap3A_288 = vector.shape_cast %scan3A_272#2 : vector<16xf32> to vector<1x16xf32>
      tpu.vector_store %arg7[%swap3A_284, %swap3A_285], %swap3A_288 {strides = array<i32>} : memref<128x64xf32, #tpu.memory_space<vmem>>, vector<1x16xf32>,
      %swap3A_289 = arith.index_cast %add3A_237 : i32 to index
      %swap3A_290 = arith.constant 48 : index
      %swap3A_291 = tpu.vector_load %arg7[%swap3A_289, %swap3A_290] {strides = array<i32>} : memref<128x64xf32, #tpu.memory_space<vmem>>, vector<1x16xf32>,
      %swap3A_292 = vector.shape_cast %swap3A_291 : vector<1x16xf32> to vector<16xf32>
      %swap3A_293 = vector.shape_cast %scan3A_272#3 : vector<16xf32> to vector<1x16xf32>
      tpu.vector_store %arg7[%swap3A_289, %swap3A_290], %swap3A_293 {strides = array<i32>} : memref<128x64xf32, #tpu.memory_space<vmem>>, vector<1x16xf32>,
      %add3A_294 = arith.constant 4 : i32
      %add3A_295 = arith.addi %add3A_237, %add3A_294 : i32
      %lt3A_296 = arith.constant 128 : i32
      %lt3A_297 = arith.cmpi slt, %add3A_295, %lt3A_296 : i32
      %convert_element_type3A_298 = arith.extui %lt3A_297 : i1 to i32
      %cond3A_299 = arith.constant 0 : i32
      %cond3A_300 = arith.cmpi ne, %convert_element_type3A_298, %cond3A_299 : i32
      scf.if %cond3A_300 {
        %dma_start3A_368 = arith.constant 2 : i32
        %dma_start3A_369 = arith.constant 0 : i32
        %dma_start3A_370 = arith.constant 0 : i32
        %dma_start3A_371 = tpu.memref_slice %arg6[%dma_start3A_368, %dma_start3A_369, %dma_start3A_370] : memref<4x200x64xf32, #tpu.memory_space<vmem>> -> memref<1x96x64xf32, #tpu.memory_space<vmem>>
        %dma_start3A_372 = tpu.memref_squeeze %dma_start3A_371 : memref<1x96x64xf32, #tpu.memory_space<vmem>> -> memref<96x64xf32, #tpu.memory_space<vmem>>
        %dma_start3A_373 = arith.constant 0 : i32
        %dma_start3A_374 = tpu.memref_slice %arg5[%add3A_295, %dma_start3A_373] : memref<128x200xi32, #tpu.memory_space<vmem>> -> memref<1x96xi32, #tpu.memory_space<vmem>>
        %dma_start3A_375 = tpu.memref_squeeze %dma_start3A_374 : memref<1x96xi32, #tpu.memory_space<vmem>> -> memref<96xi32, #tpu.memory_space<vmem>>
        %dma_start3A_376 = arith.constant 0 : i32
        %dma_start3A_377 = arith.constant 0 : i32
        %dma_start3A_378 = tpu.memref_slice %arg3[%dma_start3A_376, %dma_start3A_377] : memref<1000000x64xf32, #tpu.memory_space<hbm>> -> memref<1000000x64xf32, #tpu.memory_space<hbm>>
        tpu.enqueue_indirect_dma source(%dma_start3A_378 : memref<1000000x64xf32, #tpu.memory_space<hbm>>) target(%dma_start3A_372 : memref<96x64xf32, #tpu.memory_space<vmem>>) offsets(%dma_start3A_375 : memref<96xi32, #tpu.memory_space<vmem>>) semaphore(%arg10 : memref<!tpu.dma_semaphore, #tpu.memory_space<semaphore_mem>>)
        %dma_start3A_379 = arith.constant 2 : i32
        %dma_start3A_380 = arith.constant 96 : i32
        %dma_start3A_381 = arith.constant 0 : i32
        %dma_start3A_382 = tpu.memref_slice %arg6[%dma_start3A_379, %dma_start3A_380, %dma_start3A_381] : memref<4x200x64xf32, #tpu.memory_space<vmem>> -> memref<1x104x64xf32, #tpu.memory_space<vmem>>
        %dma_start3A_383 = tpu.memref_squeeze %dma_start3A_382 : memref<1x104x64xf32, #tpu.memory_space<vmem>> -> memref<104x64xf32, #tpu.memory_space<vmem>>
        %dma_start3A_384 = arith.constant 96 : i32
        %dma_start3A_385 = tpu.memref_slice %arg5[%add3A_295, %dma_start3A_384] : memref<128x200xi32, #tpu.memory_space<vmem>> -> memref<1x104xi32, #tpu.memory_space<vmem>>
        %dma_start3A_386 = tpu.memref_squeeze %dma_start3A_385 : memref<1x104xi32, #tpu.memory_space<vmem>> -> memref<104xi32, #tpu.memory_space<vmem>>
        %dma_start3A_387 = arith.constant 0 : i32
        %dma_start3A_388 = arith.constant 0 : i32
        %dma_start3A_389 = tpu.memref_slice %arg3[%dma_start3A_387, %dma_start3A_388] : memref<1000000x64xf32, #tpu.memory_space<hbm>> -> memref<1000000x64xf32, #tpu.memory_space<hbm>>
        tpu.enqueue_indirect_dma source(%dma_start3A_389 : memref<1000000x64xf32, #tpu.memory_space<hbm>>) target(%dma_start3A_383 : memref<104x64xf32, #tpu.memory_space<vmem>>) offsets(%dma_start3A_386 : memref<104xi32, #tpu.memory_space<vmem>>) semaphore(%arg10 : memref<!tpu.dma_semaphore, #tpu.memory_space<semaphore_mem>>)
      } else {
      }
      %mul3A_301 = arith.constant 4 : i32
      %mul3A_302 = arith.muli %mul3A_301, %scan3A_105 : i32
      %add3A_303 = arith.constant 3 : i32
      %add3A_304 = arith.addi %mul3A_302, %add3A_303 : i32
      %dma_wait3A_305 = arith.constant 3 : i32
      %dma_wait3A_306 = arith.constant 0 : i32
      %dma_wait3A_307 = arith.constant 0 : i32
      %dma_wait3A_308 = tpu.memref_slice %arg6[%dma_wait3A_305, %dma_wait3A_306, %dma_wait3A_307] : memref<4x200x64xf32, #tpu.memory_space<vmem>> -> memref<1x96x64xf32, #tpu.memory_space<vmem>>
      %dma_wait3A_309 = tpu.memref_squeeze %dma_wait3A_308 : memref<1x96x64xf32, #tpu.memory_space<vmem>> -> memref<96x64xf32, #tpu.memory_space<vmem>>
      %dma_wait3A_310 = arith.constant 0 : i32
      %dma_wait3A_311 = tpu.memref_slice %arg5[%add3A_304, %dma_wait3A_310] : memref<128x200xi32, #tpu.memory_space<vmem>> -> memref<1x96xi32, #tpu.memory_space<vmem>>
      %dma_wait3A_312 = tpu.memref_squeeze %dma_wait3A_311 : memref<1x96xi32, #tpu.memory_space<vmem>> -> memref<96xi32, #tpu.memory_space<vmem>>
      %dma_wait3A_313 = arith.constant 0 : i32
      %dma_wait3A_314 = arith.constant 0 : i32
      %dma_wait3A_315 = tpu.memref_slice %arg3[%dma_wait3A_313, %dma_wait3A_314] : memref<1000000x64xf32, #tpu.memory_space<hbm>> -> memref<1000000x64xf32, #tpu.memory_space<hbm>>
      tpu.wait_indirect_dma semaphore(%arg11 : memref<!tpu.dma_semaphore, #tpu.memory_space<semaphore_mem>>) src(%dma_wait3A_315 : memref<1000000x64xf32, #tpu.memory_space<hbm>>) dst(%dma_wait3A_309 : memref<96x64xf32, #tpu.memory_space<vmem>>)
      %dma_wait3A_316 = arith.constant 3 : i32
      %dma_wait3A_317 = arith.constant 96 : i32
      %dma_wait3A_318 = arith.constant 0 : i32
      %dma_wait3A_319 = tpu.memref_slice %arg6[%dma_wait3A_316, %dma_wait3A_317, %dma_wait3A_318] : memref<4x200x64xf32, #tpu.memory_space<vmem>> -> memref<1x104x64xf32, #tpu.memory_space<vmem>>
      %dma_wait3A_320 = tpu.memref_squeeze %dma_wait3A_319 : memref<1x104x64xf32, #tpu.memory_space<vmem>> -> memref<104x64xf32, #tpu.memory_space<vmem>>
      %dma_wait3A_321 = arith.constant 96 : i32
      %dma_wait3A_322 = tpu.memref_slice %arg5[%add3A_304, %dma_wait3A_321] : memref<128x200xi32, #tpu.memory_space<vmem>> -> memref<1x104xi32, #tpu.memory_space<vmem>>
      %dma_wait3A_323 = tpu.memref_squeeze %dma_wait3A_322 : memref<1x104xi32, #tpu.memory_space<vmem>> -> memref<104xi32, #tpu.memory_space<vmem>>
      %dma_wait3A_324 = arith.constant 0 : i32
      %dma_wait3A_325 = arith.constant 0 : i32
      %dma_wait3A_326 = tpu.memref_slice %arg3[%dma_wait3A_324, %dma_wait3A_325] : memref<1000000x64xf32, #tpu.memory_space<hbm>> -> memref<1000000x64xf32, #tpu.memory_space<hbm>>
      tpu.wait_indirect_dma semaphore(%arg11 : memref<!tpu.dma_semaphore, #tpu.memory_space<semaphore_mem>>) src(%dma_wait3A_326 : memref<1000000x64xf32, #tpu.memory_space<hbm>>) dst(%dma_wait3A_320 : memref<104x64xf32, #tpu.memory_space<vmem>>)
      %broadcast_in_dim3A_327 = arith.constant 0.000000e+00 : f32
      %broadcast_in_dim3A_328 = vector.broadcast %broadcast_in_dim3A_327 : f32 to vector<16xf32>
      %broadcast_in_dim3A_329 = arith.constant 0.000000e+00 : f32
      %broadcast_in_dim3A_330 = vector.broadcast %broadcast_in_dim3A_329 : f32 to vector<16xf32>
      %broadcast_in_dim3A_331 = arith.constant 0.000000e+00 : f32
      %broadcast_in_dim3A_332 = vector.broadcast %broadcast_in_dim3A_331 : f32 to vector<16xf32>
      %broadcast_in_dim3A_333 = arith.constant 0.000000e+00 : f32
      %broadcast_in_dim3A_334 = vector.broadcast %broadcast_in_dim3A_333 : f32 to vector<16xf32>
      %scan3A_335 = arith.constant 0 : i32
      %scan3A_336 = arith.constant 200 : i32
      %scan3A_337 = arith.addi %scan3A_335, %scan3A_336 : i32
      %scan3A_338 = arith.constant 8 : i32
      %scan3A_339:4 = scf.for %scan3A_368 = %scan3A_335 to %scan3A_337 step %scan3A_338 iter_args(%scan3A_369 = %broadcast_in_dim3A_328, %scan3A_370 = %broadcast_in_dim3A_330, %scan3A_371 = %broadcast_in_dim3A_332, %scan3A_372 = %broadcast_in_dim3A_334) -> (vector<16xf32>, vector<16xf32>, vector<16xf32>, vector<16xf32>)  : i32 {
        %get3A = arith.constant 3 : i32
        %get3A_373 = arith.index_cast %get3A : i32 to index
        %get3A_374 = arith.index_cast %scan3A_368 : i32 to index
        %get3A_375 = arith.constant 0 : index
        %get3A_376 = tpu.vector_load %arg6[%get3A_373, %get3A_374, %get3A_375] {strides = array<i32>} : memref<4x200x64xf32, #tpu.memory_space<vmem>>, vector<1x1x16xf32>,
        %get3A_377 = vector.shape_cast %get3A_376 : vector<1x1x16xf32> to vector<16xf32>
        %add3A_378 = arith.addf %scan3A_369, %get3A_377 : vector<16xf32>
        %get3A_379 = arith.constant 3 : i32
        %get3A_380 = arith.index_cast %get3A_379 : i32 to index
        %get3A_381 = arith.index_cast %scan3A_368 : i32 to index
        %get3A_382 = arith.constant 16 : index
        %get3A_383 = tpu.vector_load %arg6[%get3A_380, %get3A_381, %get3A_382] {strides = array<i32>} : memref<4x200x64xf32, #tpu.memory_space<vmem>>, vector<1x1x16xf32>,
        %get3A_384 = vector.shape_cast %get3A_383 : vector<1x1x16xf32> to vector<16xf32>
        %add3A_385 = arith.addf %scan3A_370, %get3A_384 : vector<16xf32>
        %get3A_386 = arith.constant 3 : i32
        %get3A_387 = arith.index_cast %get3A_386 : i32 to index
        %get3A_388 = arith.index_cast %scan3A_368 : i32 to index
        %get3A_389 = arith.constant 32 : index
        %get3A_390 = tpu.vector_load %arg6[%get3A_387, %get3A_388, %get3A_389] {strides = array<i32>} : memref<4x200x64xf32, #tpu.memory_space<vmem>>, vector<1x1x16xf32>,
        %get3A_391 = vector.shape_cast %get3A_390 : vector<1x1x16xf32> to vector<16xf32>
        %add3A_392 = arith.addf %scan3A_371, %get3A_391 : vector<16xf32>
        %get3A_393 = arith.constant 3 : i32
        %get3A_394 = arith.index_cast %get3A_393 : i32 to index
        %get3A_395 = arith.index_cast %scan3A_368 : i32 to index
        %get3A_396 = arith.constant 48 : index
        %get3A_397 = tpu.vector_load %arg6[%get3A_394, %get3A_395, %get3A_396] {strides = array<i32>} : memref<4x200x64xf32, #tpu.memory_space<vmem>>, vector<1x1x16xf32>,
        %get3A_398 = vector.shape_cast %get3A_397 : vector<1x1x16xf32> to vector<16xf32>
        %add3A_399 = arith.addf %scan3A_372, %get3A_398 : vector<16xf32>
        %scan3A_400 = arith.constant 1 : i32
        %scan3A_401 = arith.addi %scan3A_368, %scan3A_400 : i32
        %get3A_402 = arith.constant 3 : i32
        %get3A_403 = arith.index_cast %get3A_402 : i32 to index
        %get3A_404 = arith.index_cast %scan3A_401 : i32 to index
        %get3A_405 = arith.constant 0 : index
        %get3A_406 = tpu.vector_load %arg6[%get3A_403, %get3A_404, %get3A_405] {strides = array<i32>} : memref<4x200x64xf32, #tpu.memory_space<vmem>>, vector<1x1x16xf32>,
        %get3A_407 = vector.shape_cast %get3A_406 : vector<1x1x16xf32> to vector<16xf32>
        %add3A_408 = arith.addf %add3A_378, %get3A_407 : vector<16xf32>
        %get3A_409 = arith.constant 3 : i32
        %get3A_410 = arith.index_cast %get3A_409 : i32 to index
        %get3A_411 = arith.index_cast %scan3A_401 : i32 to index
        %get3A_412 = arith.constant 16 : index
        %get3A_413 = tpu.vector_load %arg6[%get3A_410, %get3A_411, %get3A_412] {strides = array<i32>} : memref<4x200x64xf32, #tpu.memory_space<vmem>>, vector<1x1x16xf32>,
        %get3A_414 = vector.shape_cast %get3A_413 : vector<1x1x16xf32> to vector<16xf32>
        %add3A_415 = arith.addf %add3A_385, %get3A_414 : vector<16xf32>
        %get3A_416 = arith.constant 3 : i32
        %get3A_417 = arith.index_cast %get3A_416 : i32 to index
        %get3A_418 = arith.index_cast %scan3A_401 : i32 to index
        %get3A_419 = arith.constant 32 : index
        %get3A_420 = tpu.vector_load %arg6[%get3A_417, %get3A_418, %get3A_419] {strides = array<i32>} : memref<4x200x64xf32, #tpu.memory_space<vmem>>, vector<1x1x16xf32>,
        %get3A_421 = vector.shape_cast %get3A_420 : vector<1x1x16xf32> to vector<16xf32>
        %add3A_422 = arith.addf %add3A_392, %get3A_421 : vector<16xf32>
        %get3A_423 = arith.constant 3 : i32
        %get3A_424 = arith.index_cast %get3A_423 : i32 to index
        %get3A_425 = arith.index_cast %scan3A_401 : i32 to index
        %get3A_426 = arith.constant 48 : index
        %get3A_427 = tpu.vector_load %arg6[%get3A_424, %get3A_425, %get3A_426] {strides = array<i32>} : memref<4x200x64xf32, #tpu.memory_space<vmem>>, vector<1x1x16xf32>,
        %get3A_428 = vector.shape_cast %get3A_427 : vector<1x1x16xf32> to vector<16xf32>
        %add3A_429 = arith.addf %add3A_399, %get3A_428 : vector<16xf32>
        %scan3A_430 = arith.constant 2 : i32
        %scan3A_431 = arith.addi %scan3A_368, %scan3A_430 : i32
        %get3A_432 = arith.constant 3 : i32
        %get3A_433 = arith.index_cast %get3A_432 : i32 to index
        %get3A_434 = arith.index_cast %scan3A_431 : i32 to index
        %get3A_435 = arith.constant 0 : index
        %get3A_436 = tpu.vector_load %arg6[%get3A_433, %get3A_434, %get3A_435] {strides = array<i32>} : memref<4x200x64xf32, #tpu.memory_space<vmem>>, vector<1x1x16xf32>,
        %get3A_437 = vector.shape_cast %get3A_436 : vector<1x1x16xf32> to vector<16xf32>
        %add3A_438 = arith.addf %add3A_408, %get3A_437 : vector<16xf32>
        %get3A_439 = arith.constant 3 : i32
        %get3A_440 = arith.index_cast %get3A_439 : i32 to index
        %get3A_441 = arith.index_cast %scan3A_431 : i32 to index
        %get3A_442 = arith.constant 16 : index
        %get3A_443 = tpu.vector_load %arg6[%get3A_440, %get3A_441, %get3A_442] {strides = array<i32>} : memref<4x200x64xf32, #tpu.memory_space<vmem>>, vector<1x1x16xf32>,
        %get3A_444 = vector.shape_cast %get3A_443 : vector<1x1x16xf32> to vector<16xf32>
        %add3A_445 = arith.addf %add3A_415, %get3A_444 : vector<16xf32>
        %get3A_446 = arith.constant 3 : i32
        %get3A_447 = arith.index_cast %get3A_446 : i32 to index
        %get3A_448 = arith.index_cast %scan3A_431 : i32 to index
        %get3A_449 = arith.constant 32 : index
        %get3A_450 = tpu.vector_load %arg6[%get3A_447, %get3A_448, %get3A_449] {strides = array<i32>} : memref<4x200x64xf32, #tpu.memory_space<vmem>>, vector<1x1x16xf32>,
        %get3A_451 = vector.shape_cast %get3A_450 : vector<1x1x16xf32> to vector<16xf32>
        %add3A_452 = arith.addf %add3A_422, %get3A_451 : vector<16xf32>
        %get3A_453 = arith.constant 3 : i32
        %get3A_454 = arith.index_cast %get3A_453 : i32 to index
        %get3A_455 = arith.index_cast %scan3A_431 : i32 to index
        %get3A_456 = arith.constant 48 : index
        %get3A_457 = tpu.vector_load %arg6[%get3A_454, %get3A_455, %get3A_456] {strides = array<i32>} : memref<4x200x64xf32, #tpu.memory_space<vmem>>, vector<1x1x16xf32>,
        %get3A_458 = vector.shape_cast %get3A_457 : vector<1x1x16xf32> to vector<16xf32>
        %add3A_459 = arith.addf %add3A_429, %get3A_458 : vector<16xf32>
        %scan3A_460 = arith.constant 3 : i32
        %scan3A_461 = arith.addi %scan3A_368, %scan3A_460 : i32
        %get3A_462 = arith.constant 3 : i32
        %get3A_463 = arith.index_cast %get3A_462 : i32 to index
        %get3A_464 = arith.index_cast %scan3A_461 : i32 to index
        %get3A_465 = arith.constant 0 : index
        %get3A_466 = tpu.vector_load %arg6[%get3A_463, %get3A_464, %get3A_465] {strides = array<i32>} : memref<4x200x64xf32, #tpu.memory_space<vmem>>, vector<1x1x16xf32>,
        %get3A_467 = vector.shape_cast %get3A_466 : vector<1x1x16xf32> to vector<16xf32>
        %add3A_468 = arith.addf %add3A_438, %get3A_467 : vector<16xf32>
        %get3A_469 = arith.constant 3 : i32
        %get3A_470 = arith.index_cast %get3A_469 : i32 to index
        %get3A_471 = arith.index_cast %scan3A_461 : i32 to index
        %get3A_472 = arith.constant 16 : index
        %get3A_473 = tpu.vector_load %arg6[%get3A_470, %get3A_471, %get3A_472] {strides = array<i32>} : memref<4x200x64xf32, #tpu.memory_space<vmem>>, vector<1x1x16xf32>,
        %get3A_474 = vector.shape_cast %get3A_473 : vector<1x1x16xf32> to vector<16xf32>
        %add3A_475 = arith.addf %add3A_445, %get3A_474 : vector<16xf32>
        %get3A_476 = arith.constant 3 : i32
        %get3A_477 = arith.index_cast %get3A_476 : i32 to index
        %get3A_478 = arith.index_cast %scan3A_461 : i32 to index
        %get3A_479 = arith.constant 32 : index
        %get3A_480 = tpu.vector_load %arg6[%get3A_477, %get3A_478, %get3A_479] {strides = array<i32>} : memref<4x200x64xf32, #tpu.memory_space<vmem>>, vector<1x1x16xf32>,
        %get3A_481 = vector.shape_cast %get3A_480 : vector<1x1x16xf32> to vector<16xf32>
        %add3A_482 = arith.addf %add3A_452, %get3A_481 : vector<16xf32>
        %get3A_483 = arith.constant 3 : i32
        %get3A_484 = arith.index_cast %get3A_483 : i32 to index
        %get3A_485 = arith.index_cast %scan3A_461 : i32 to index
        %get3A_486 = arith.constant 48 : index
        %get3A_487 = tpu.vector_load %arg6[%get3A_484, %get3A_485, %get3A_486] {strides = array<i32>} : memref<4x200x64xf32, #tpu.memory_space<vmem>>, vector<1x1x16xf32>,
        %get3A_488 = vector.shape_cast %get3A_487 : vector<1x1x16xf32> to vector<16xf32>
        %add3A_489 = arith.addf %add3A_459, %get3A_488 : vector<16xf32>
        %scan3A_490 = arith.constant 4 : i32
        %scan3A_491 = arith.addi %scan3A_368, %scan3A_490 : i32
        %get3A_492 = arith.constant 3 : i32
        %get3A_493 = arith.index_cast %get3A_492 : i32 to index
        %get3A_494 = arith.index_cast %scan3A_491 : i32 to index
        %get3A_495 = arith.constant 0 : index
        %get3A_496 = tpu.vector_load %arg6[%get3A_493, %get3A_494, %get3A_495] {strides = array<i32>} : memref<4x200x64xf32, #tpu.memory_space<vmem>>, vector<1x1x16xf32>,
        %get3A_497 = vector.shape_cast %get3A_496 : vector<1x1x16xf32> to vector<16xf32>
        %add3A_498 = arith.addf %add3A_468, %get3A_497 : vector<16xf32>
        %get3A_499 = arith.constant 3 : i32
        %get3A_500 = arith.index_cast %get3A_499 : i32 to index
        %get3A_501 = arith.index_cast %scan3A_491 : i32 to index
        %get3A_502 = arith.constant 16 : index
        %get3A_503 = tpu.vector_load %arg6[%get3A_500, %get3A_501, %get3A_502] {strides = array<i32>} : memref<4x200x64xf32, #tpu.memory_space<vmem>>, vector<1x1x16xf32>,
        %get3A_504 = vector.shape_cast %get3A_503 : vector<1x1x16xf32> to vector<16xf32>
        %add3A_505 = arith.addf %add3A_475, %get3A_504 : vector<16xf32>
        %get3A_506 = arith.constant 3 : i32
        %get3A_507 = arith.index_cast %get3A_506 : i32 to index
        %get3A_508 = arith.index_cast %scan3A_491 : i32 to index
        %get3A_509 = arith.constant 32 : index
        %get3A_510 = tpu.vector_load %arg6[%get3A_507, %get3A_508, %get3A_509] {strides = array<i32>} : memref<4x200x64xf32, #tpu.memory_space<vmem>>, vector<1x1x16xf32>,
        %get3A_511 = vector.shape_cast %get3A_510 : vector<1x1x16xf32> to vector<16xf32>
        %add3A_512 = arith.addf %add3A_482, %get3A_511 : vector<16xf32>
        %get3A_513 = arith.constant 3 : i32
        %get3A_514 = arith.index_cast %get3A_513 : i32 to index
        %get3A_515 = arith.index_cast %scan3A_491 : i32 to index
        %get3A_516 = arith.constant 48 : index
        %get3A_517 = tpu.vector_load %arg6[%get3A_514, %get3A_515, %get3A_516] {strides = array<i32>} : memref<4x200x64xf32, #tpu.memory_space<vmem>>, vector<1x1x16xf32>,
        %get3A_518 = vector.shape_cast %get3A_517 : vector<1x1x16xf32> to vector<16xf32>
        %add3A_519 = arith.addf %add3A_489, %get3A_518 : vector<16xf32>
        %scan3A_520 = arith.constant 5 : i32
        %scan3A_521 = arith.addi %scan3A_368, %scan3A_520 : i32
        %get3A_522 = arith.constant 3 : i32
        %get3A_523 = arith.index_cast %get3A_522 : i32 to index
        %get3A_524 = arith.index_cast %scan3A_521 : i32 to index
        %get3A_525 = arith.constant 0 : index
        %get3A_526 = tpu.vector_load %arg6[%get3A_523, %get3A_524, %get3A_525] {strides = array<i32>} : memref<4x200x64xf32, #tpu.memory_space<vmem>>, vector<1x1x16xf32>,
        %get3A_527 = vector.shape_cast %get3A_526 : vector<1x1x16xf32> to vector<16xf32>
        %add3A_528 = arith.addf %add3A_498, %get3A_527 : vector<16xf32>
        %get3A_529 = arith.constant 3 : i32
        %get3A_530 = arith.index_cast %get3A_529 : i32 to index
        %get3A_531 = arith.index_cast %scan3A_521 : i32 to index
        %get3A_532 = arith.constant 16 : index
        %get3A_533 = tpu.vector_load %arg6[%get3A_530, %get3A_531, %get3A_532] {strides = array<i32>} : memref<4x200x64xf32, #tpu.memory_space<vmem>>, vector<1x1x16xf32>,
        %get3A_534 = vector.shape_cast %get3A_533 : vector<1x1x16xf32> to vector<16xf32>
        %add3A_535 = arith.addf %add3A_505, %get3A_534 : vector<16xf32>
        %get3A_536 = arith.constant 3 : i32
        %get3A_537 = arith.index_cast %get3A_536 : i32 to index
        %get3A_538 = arith.index_cast %scan3A_521 : i32 to index
        %get3A_539 = arith.constant 32 : index
        %get3A_540 = tpu.vector_load %arg6[%get3A_537, %get3A_538, %get3A_539] {strides = array<i32>} : memref<4x200x64xf32, #tpu.memory_space<vmem>>, vector<1x1x16xf32>,
        %get3A_541 = vector.shape_cast %get3A_540 : vector<1x1x16xf32> to vector<16xf32>
        %add3A_542 = arith.addf %add3A_512, %get3A_541 : vector<16xf32>
        %get3A_543 = arith.constant 3 : i32
        %get3A_544 = arith.index_cast %get3A_543 : i32 to index
        %get3A_545 = arith.index_cast %scan3A_521 : i32 to index
        %get3A_546 = arith.constant 48 : index
        %get3A_547 = tpu.vector_load %arg6[%get3A_544, %get3A_545, %get3A_546] {strides = array<i32>} : memref<4x200x64xf32, #tpu.memory_space<vmem>>, vector<1x1x16xf32>,
        %get3A_548 = vector.shape_cast %get3A_547 : vector<1x1x16xf32> to vector<16xf32>
        %add3A_549 = arith.addf %add3A_519, %get3A_548 : vector<16xf32>
        %scan3A_550 = arith.constant 6 : i32
        %scan3A_551 = arith.addi %scan3A_368, %scan3A_550 : i32
        %get3A_552 = arith.constant 3 : i32
        %get3A_553 = arith.index_cast %get3A_552 : i32 to index
        %get3A_554 = arith.index_cast %scan3A_551 : i32 to index
        %get3A_555 = arith.constant 0 : index
        %get3A_556 = tpu.vector_load %arg6[%get3A_553, %get3A_554, %get3A_555] {strides = array<i32>} : memref<4x200x64xf32, #tpu.memory_space<vmem>>, vector<1x1x16xf32>,
        %get3A_557 = vector.shape_cast %get3A_556 : vector<1x1x16xf32> to vector<16xf32>
        %add3A_558 = arith.addf %add3A_528, %get3A_557 : vector<16xf32>
        %get3A_559 = arith.constant 3 : i32
        %get3A_560 = arith.index_cast %get3A_559 : i32 to index
        %get3A_561 = arith.index_cast %scan3A_551 : i32 to index
        %get3A_562 = arith.constant 16 : index
        %get3A_563 = tpu.vector_load %arg6[%get3A_560, %get3A_561, %get3A_562] {strides = array<i32>} : memref<4x200x64xf32, #tpu.memory_space<vmem>>, vector<1x1x16xf32>,
        %get3A_564 = vector.shape_cast %get3A_563 : vector<1x1x16xf32> to vector<16xf32>
        %add3A_565 = arith.addf %add3A_535, %get3A_564 : vector<16xf32>
        %get3A_566 = arith.constant 3 : i32
        %get3A_567 = arith.index_cast %get3A_566 : i32 to index
        %get3A_568 = arith.index_cast %scan3A_551 : i32 to index
        %get3A_569 = arith.constant 32 : index
        %get3A_570 = tpu.vector_load %arg6[%get3A_567, %get3A_568, %get3A_569] {strides = array<i32>} : memref<4x200x64xf32, #tpu.memory_space<vmem>>, vector<1x1x16xf32>,
        %get3A_571 = vector.shape_cast %get3A_570 : vector<1x1x16xf32> to vector<16xf32>
        %add3A_572 = arith.addf %add3A_542, %get3A_571 : vector<16xf32>
        %get3A_573 = arith.constant 3 : i32
        %get3A_574 = arith.index_cast %get3A_573 : i32 to index
        %get3A_575 = arith.index_cast %scan3A_551 : i32 to index
        %get3A_576 = arith.constant 48 : index
        %get3A_577 = tpu.vector_load %arg6[%get3A_574, %get3A_575, %get3A_576] {strides = array<i32>} : memref<4x200x64xf32, #tpu.memory_space<vmem>>, vector<1x1x16xf32>,
        %get3A_578 = vector.shape_cast %get3A_577 : vector<1x1x16xf32> to vector<16xf32>
        %add3A_579 = arith.addf %add3A_549, %get3A_578 : vector<16xf32>
        %scan3A_580 = arith.constant 7 : i32
        %scan3A_581 = arith.addi %scan3A_368, %scan3A_580 : i32
        %get3A_582 = arith.constant 3 : i32
        %get3A_583 = arith.index_cast %get3A_582 : i32 to index
        %get3A_584 = arith.index_cast %scan3A_581 : i32 to index
        %get3A_585 = arith.constant 0 : index
        %get3A_586 = tpu.vector_load %arg6[%get3A_583, %get3A_584, %get3A_585] {strides = array<i32>} : memref<4x200x64xf32, #tpu.memory_space<vmem>>, vector<1x1x16xf32>,
        %get3A_587 = vector.shape_cast %get3A_586 : vector<1x1x16xf32> to vector<16xf32>
        %add3A_588 = arith.addf %add3A_558, %get3A_587 : vector<16xf32>
        %get3A_589 = arith.constant 3 : i32
        %get3A_590 = arith.index_cast %get3A_589 : i32 to index
        %get3A_591 = arith.index_cast %scan3A_581 : i32 to index
        %get3A_592 = arith.constant 16 : index
        %get3A_593 = tpu.vector_load %arg6[%get3A_590, %get3A_591, %get3A_592] {strides = array<i32>} : memref<4x200x64xf32, #tpu.memory_space<vmem>>, vector<1x1x16xf32>,
        %get3A_594 = vector.shape_cast %get3A_593 : vector<1x1x16xf32> to vector<16xf32>
        %add3A_595 = arith.addf %add3A_565, %get3A_594 : vector<16xf32>
        %get3A_596 = arith.constant 3 : i32
        %get3A_597 = arith.index_cast %get3A_596 : i32 to index
        %get3A_598 = arith.index_cast %scan3A_581 : i32 to index
        %get3A_599 = arith.constant 32 : index
        %get3A_600 = tpu.vector_load %arg6[%get3A_597, %get3A_598, %get3A_599] {strides = array<i32>} : memref<4x200x64xf32, #tpu.memory_space<vmem>>, vector<1x1x16xf32>,
        %get3A_601 = vector.shape_cast %get3A_600 : vector<1x1x16xf32> to vector<16xf32>
        %add3A_602 = arith.addf %add3A_572, %get3A_601 : vector<16xf32>
        %get3A_603 = arith.constant 3 : i32
        %get3A_604 = arith.index_cast %get3A_603 : i32 to index
        %get3A_605 = arith.index_cast %scan3A_581 : i32 to index
        %get3A_606 = arith.constant 48 : index
        %get3A_607 = tpu.vector_load %arg6[%get3A_604, %get3A_605, %get3A_606] {strides = array<i32>} : memref<4x200x64xf32, #tpu.memory_space<vmem>>, vector<1x1x16xf32>,
        %get3A_608 = vector.shape_cast %get3A_607 : vector<1x1x16xf32> to vector<16xf32>
        %add3A_609 = arith.addf %add3A_579, %get3A_608 : vector<16xf32>
        scf.yield %add3A_588, %add3A_595, %add3A_602, %add3A_609 : vector<16xf32>, vector<16xf32>, vector<16xf32>, vector<16xf32>
      }
      %scan3A_340 = arith.constant 200 : i32
      %swap3A_341 = arith.index_cast %add3A_304 : i32 to index
      %swap3A_342 = arith.constant 0 : index
      %swap3A_343 = tpu.vector_load %arg7[%swap3A_341, %swap3A_342] {strides = array<i32>} : memref<128x64xf32, #tpu.memory_space<vmem>>, vector<1x16xf32>,
      %swap3A_344 = vector.shape_cast %swap3A_343 : vector<1x16xf32> to vector<16xf32>
      %swap3A_345 = vector.shape_cast %scan3A_339#0 : vector<16xf32> to vector<1x16xf32>
      tpu.vector_store %arg7[%swap3A_341, %swap3A_342], %swap3A_345 {strides = array<i32>} : memref<128x64xf32, #tpu.memory_space<vmem>>, vector<1x16xf32>,
      %swap3A_346 = arith.index_cast %add3A_304 : i32 to index
      %swap3A_347 = arith.constant 16 : index
      %swap3A_348 = tpu.vector_load %arg7[%swap3A_346, %swap3A_347] {strides = array<i32>} : memref<128x64xf32, #tpu.memory_space<vmem>>, vector<1x16xf32>,
      %swap3A_349 = vector.shape_cast %swap3A_348 : vector<1x16xf32> to vector<16xf32>
      %swap3A_350 = vector.shape_cast %scan3A_339#1 : vector<16xf32> to vector<1x16xf32>
      tpu.vector_store %arg7[%swap3A_346, %swap3A_347], %swap3A_350 {strides = array<i32>} : memref<128x64xf32, #tpu.memory_space<vmem>>, vector<1x16xf32>,
      %swap3A_351 = arith.index_cast %add3A_304 : i32 to index
      %swap3A_352 = arith.constant 32 : index
      %swap3A_353 = tpu.vector_load %arg7[%swap3A_351, %swap3A_352] {strides = array<i32>} : memref<128x64xf32, #tpu.memory_space<vmem>>, vector<1x16xf32>,
      %swap3A_354 = vector.shape_cast %swap3A_353 : vector<1x16xf32> to vector<16xf32>
      %swap3A_355 = vector.shape_cast %scan3A_339#2 : vector<16xf32> to vector<1x16xf32>
      tpu.vector_store %arg7[%swap3A_351, %swap3A_352], %swap3A_355 {strides = array<i32>} : memref<128x64xf32, #tpu.memory_space<vmem>>, vector<1x16xf32>,
      %swap3A_356 = arith.index_cast %add3A_304 : i32 to index
      %swap3A_357 = arith.constant 48 : index
      %swap3A_358 = tpu.vector_load %arg7[%swap3A_356, %swap3A_357] {strides = array<i32>} : memref<128x64xf32, #tpu.memory_space<vmem>>, vector<1x16xf32>,
      %swap3A_359 = vector.shape_cast %swap3A_358 : vector<1x16xf32> to vector<16xf32>
      %swap3A_360 = vector.shape_cast %scan3A_339#3 : vector<16xf32> to vector<1x16xf32>
      tpu.vector_store %arg7[%swap3A_356, %swap3A_357], %swap3A_360 {strides = array<i32>} : memref<128x64xf32, #tpu.memory_space<vmem>>, vector<1x16xf32>,
      %add3A_361 = arith.constant 4 : i32
      %add3A_362 = arith.addi %add3A_304, %add3A_361 : i32
      %lt3A_363 = arith.constant 128 : i32
      %lt3A_364 = arith.cmpi slt, %add3A_362, %lt3A_363 : i32
      %convert_element_type3A_365 = arith.extui %lt3A_364 : i1 to i32
      %cond3A_366 = arith.constant 0 : i32
      %cond3A_367 = arith.cmpi ne, %convert_element_type3A_365, %cond3A_366 : i32
      scf.if %cond3A_367 {
        %dma_start3A_368 = arith.constant 3 : i32
        %dma_start3A_369 = arith.constant 0 : i32
        %dma_start3A_370 = arith.constant 0 : i32
        %dma_start3A_371 = tpu.memref_slice %arg6[%dma_start3A_368, %dma_start3A_369, %dma_start3A_370] : memref<4x200x64xf32, #tpu.memory_space<vmem>> -> memref<1x96x64xf32, #tpu.memory_space<vmem>>
        %dma_start3A_372 = tpu.memref_squeeze %dma_start3A_371 : memref<1x96x64xf32, #tpu.memory_space<vmem>> -> memref<96x64xf32, #tpu.memory_space<vmem>>
        %dma_start3A_373 = arith.constant 0 : i32
        %dma_start3A_374 = tpu.memref_slice %arg5[%add3A_362, %dma_start3A_373] : memref<128x200xi32, #tpu.memory_space<vmem>> -> memref<1x96xi32, #tpu.memory_space<vmem>>
        %dma_start3A_375 = tpu.memref_squeeze %dma_start3A_374 : memref<1x96xi32, #tpu.memory_space<vmem>> -> memref<96xi32, #tpu.memory_space<vmem>>
        %dma_start3A_376 = arith.constant 0 : i32
        %dma_start3A_377 = arith.constant 0 : i32
        %dma_start3A_378 = tpu.memref_slice %arg3[%dma_start3A_376, %dma_start3A_377] : memref<1000000x64xf32, #tpu.memory_space<hbm>> -> memref<1000000x64xf32, #tpu.memory_space<hbm>>
        tpu.enqueue_indirect_dma source(%dma_start3A_378 : memref<1000000x64xf32, #tpu.memory_space<hbm>>) target(%dma_start3A_372 : memref<96x64xf32, #tpu.memory_space<vmem>>) offsets(%dma_start3A_375 : memref<96xi32, #tpu.memory_space<vmem>>) semaphore(%arg11 : memref<!tpu.dma_semaphore, #tpu.memory_space<semaphore_mem>>)
        %dma_start3A_379 = arith.constant 3 : i32
        %dma_start3A_380 = arith.constant 96 : i32
        %dma_start3A_381 = arith.constant 0 : i32
        %dma_start3A_382 = tpu.memref_slice %arg6[%dma_start3A_379, %dma_start3A_380, %dma_start3A_381] : memref<4x200x64xf32, #tpu.memory_space<vmem>> -> memref<1x104x64xf32, #tpu.memory_space<vmem>>
        %dma_start3A_383 = tpu.memref_squeeze %dma_start3A_382 : memref<1x104x64xf32, #tpu.memory_space<vmem>> -> memref<104x64xf32, #tpu.memory_space<vmem>>
        %dma_start3A_384 = arith.constant 96 : i32
        %dma_start3A_385 = tpu.memref_slice %arg5[%add3A_362, %dma_start3A_384] : memref<128x200xi32, #tpu.memory_space<vmem>> -> memref<1x104xi32, #tpu.memory_space<vmem>>
        %dma_start3A_386 = tpu.memref_squeeze %dma_start3A_385 : memref<1x104xi32, #tpu.memory_space<vmem>> -> memref<104xi32, #tpu.memory_space<vmem>>
        %dma_start3A_387 = arith.constant 0 : i32
        %dma_start3A_388 = arith.constant 0 : i32
        %dma_start3A_389 = tpu.memref_slice %arg3[%dma_start3A_387, %dma_start3A_388] : memref<1000000x64xf32, #tpu.memory_space<hbm>> -> memref<1000000x64xf32, #tpu.memory_space<hbm>>
        tpu.enqueue_indirect_dma source(%dma_start3A_389 : memref<1000000x64xf32, #tpu.memory_space<hbm>>) target(%dma_start3A_383 : memref<104x64xf32, #tpu.memory_space<vmem>>) offsets(%dma_start3A_386 : memref<104xi32, #tpu.memory_space<vmem>>) semaphore(%arg11 : memref<!tpu.dma_semaphore, #tpu.memory_space<semaphore_mem>>)
      } else {
      }
    }
    %scan3A_102 = arith.constant 32 : i32
    %mul3A_103 = arith.constant 128 : i32
    %mul3A_104 = arith.muli %add3A, %mul3A_103 : i32
    "tpu.region"() ({
      %run_scoped3A = tpu.sem_alloc : memref<!tpu.dma_semaphore, #tpu.memory_space<semaphore_mem>>
      %dma_start3A_105 = arith.constant 0 : i32
      %dma_start3A_106 = tpu.memref_slice %arg4[%mul3A_104, %dma_start3A_105] : memref<4096x64xf32, #tpu.memory_space<hbm>> -> memref<128x64xf32, #tpu.memory_space<hbm>>
      %dma_start3A_107 = arith.constant 0 : i32
      %dma_start3A_108 = tpu.memref_slice %arg4[%mul3A_104, %dma_start3A_107] : memref<4096x64xf32, #tpu.memory_space<hbm>> -> memref<128x64xf32, #tpu.memory_space<hbm>>
      tpu.enqueue_dma source(%arg7 : memref<128x64xf32, #tpu.memory_space<vmem>>) target(%dma_start3A_108 : memref<128x64xf32, #tpu.memory_space<hbm>>) target_semaphore(%run_scoped3A : memref<!tpu.dma_semaphore, #tpu.memory_space<semaphore_mem>>)
      %dma_wait3A = arith.constant 0 : i32
      %dma_wait3A_109 = tpu.memref_slice %arg4[%mul3A_104, %dma_wait3A] : memref<4096x64xf32, #tpu.memory_space<hbm>> -> memref<128x64xf32, #tpu.memory_space<hbm>>
      %dma_wait3A_110 = arith.constant 0 : i32
      %dma_wait3A_111 = tpu.memref_slice %arg4[%mul3A_104, %dma_wait3A_110] : memref<4096x64xf32, #tpu.memory_space<hbm>> -> memref<128x64xf32, #tpu.memory_space<hbm>>
      tpu.wait_dma2 semaphore(%run_scoped3A : memref<!tpu.dma_semaphore, #tpu.memory_space<semaphore_mem>>) src(%arg7 : memref<128x64xf32, #tpu.memory_space<vmem>>) dst(%dma_wait3A_111 : memref<128x64xf32, #tpu.memory_space<hbm>>)
      tpu.yield
    }) : () -> ()
    return
  }
}

module attributes {stable_mosaic.version = 14 : i64} {
  func.func @_classifier_kernel(%arg0: memref<4096x64xf32, #tpu.memory_space<vmem>>, %arg1: memref<64x20xf32, #tpu.memory_space<vmem>>, %arg2: memref<1x20xf32, #tpu.memory_space<vmem>>, %arg3: memref<4096x20xf32, #tpu.memory_space<vmem>>) attributes {dimension_semantics = [], scalar_prefetch = 0 : i64, scratch_operands = 0 : i64, tpu.core_type = #tpu.core_type<tc>} {
    %get3A = arith.constant 0 : index
    %get3A_0 = arith.constant 0 : index
    %get3A_1 = vector.load %arg0[%get3A, %get3A_0] : memref<4096x64xf32, #tpu.memory_space<vmem>>, vector<4096x64xf32>
    %get3A_2 = arith.constant 0 : index
    %get3A_3 = arith.constant 0 : index
    %get3A_4 = vector.load %arg1[%get3A_2, %get3A_3] : memref<64x20xf32, #tpu.memory_space<vmem>>, vector<64x20xf32>
    %dot_general3A = arith.constant dense<0.000000e+00> : vector<4096x20xf32>
    %dot_general3A_5 = tpu.matmul %get3A_1, %get3A_4, %dot_general3A {dimension_numbers = #tpu.dot_dimension_numbers<[1], [0], [0], [1], [0, 0, 1, 1], [], []>, transpose_lhs_hint = false} : vector<4096x64xf32>, vector<64x20xf32>, vector<4096x20xf32> -> vector<4096x20xf32>
    %get3A_6 = arith.constant 0 : index
    %get3A_7 = arith.constant 0 : index
    %get3A_8 = vector.load %arg2[%get3A_6, %get3A_7] : memref<1x20xf32, #tpu.memory_space<vmem>>, vector<1x20xf32>
    %add3A = vector.broadcast %get3A_8 : vector<1x20xf32> to vector<4096x20xf32>
    %add3A_9 = arith.addf %dot_general3A_5, %add3A : vector<4096x20xf32>
    %swap3A = arith.constant 0 : index
    %swap3A_10 = arith.constant 0 : index
    %swap3A_11 = vector.load %arg3[%swap3A, %swap3A_10] : memref<4096x20xf32, #tpu.memory_space<vmem>>, vector<4096x20xf32>
    tpu.vector_store %arg3[%swap3A, %swap3A_10], %add3A_9 {strides = array<i32>} : memref<4096x20xf32, #tpu.memory_space<vmem>>, vector<4096x20xf32>,
    return
  }
}

</mosaic_0001>

<sc_bundles>
// kernel: gather_pool.3.cloned.1.call-start
scs
__scs_entry_jumppad:
0x0: {  	(pc) =	sbr.rel $0x88, $3  }
0x1: {  	(tag) =	ssettag $0x0;
	lr =	simm.s32 $0x1  }
0x2: {  	[smem:$0x3F9D] =	sst lr;
	_ =	strace $0xD0000000  }
0x3: {  	_ = 	snop  }
0x4: {  	_ = 	snop  }
0x5: {  	_ = 	snop  }
0x6: {  	_ = 	snop  }
0x7: {  	_ = 	snop  }
__scs_overlays_trampoline_lowered:
0x8: {  	[smem:$0x3FAC] =	sst s0  }
0x9: {  	[smem:$0x3FAD] =	sst s1  }
0xa: {  	[smem:$0x3FAE] =	sst s2  }
0xb: {  	[smem:$0x3FAF] =	sst s3  }
0xc: {  	[smem:$0x3FB0] =	sst s4  }
0xd: {  	[smem:$0x3FB1] =	sst s5  }
0xe: {  	[smem:$0x3FB2] =	sst s6  }
0xf: {  	[smem:$0x3FB3] =	sst s7  }
0x10: {  	[smem:$0x3FB4] =	sst s8  }
0x11: {  	[smem:$0x3FB5] =	sst s9;
	s0 =	simm.s32 @!p0 $0x0  }
0x12: {  	s1 =	sld [smem:$0x3F9B];
	s0 =	simm.s32 @p0 $0x1  }
0x13: {  	[smem:$0x3FB6] =	sst s0;
	s0 =	simm.s32 @!p1 $0x0  }
0x14: {  	s2 =	sld [smem:$0x3F9A];
	s0 =	simm.s32 @p1 $0x1  }
0x15: {  	[smem:$0x3FB7] =	sst s0;
	s0 =	simm.s32 @!p2 $0x0  }
0x16: {  	s3 =	sld [smem:$0x3FDB];
	s0 =	simm.s32 @p2 $0x1  }
0x17: {  	s4 =	simm.s32 $0x1BF5;
	[smem:$0x3FB9] =	sst s0  }
0x18: {  	s0 =	sld [smem:$0x3F9C];
	_ =	swait.ge [sflag:s4], $0x0  }
0x19: {  	s7 =	sld [smem:$0x3F9D]  }
0x1a: {  	s8 =	sadd.s32 $0xFFFFE003, lr  }
0x1b: {  	s9 =	sadd.s32 $0xFFFFFEF7, lr;
	s5 =	simm.s32 $0xFFFFFFFF;
	p2 =	slt.u32 s8, $0xFFFFF086  }
0x1c: {  	p1 =	slt.u32 s9, $0xF7A;
	s5 =	simm.s32 @!p2 $0x0  }
0x1d: {  	s5 =	simm.s32 @p1 $0x1;
	p0 =	seq.s32 s7, s2  }
0x1e: {  	s7 =	smul.u32 @!p0 $0xF7A, s2;
	p2 =	seq.s32 @!p0 s5, $0x0  }
0x1f: {  	s9 =	smul.u32 $0xF7A, s1;
	s8 =	simm.s32 @!p0 $0x1BF5;
	p2 =	por !p2, p0  }
0x20: {  	[sflag:s8] =	ssyncset.s32 @!p0 $0xFFFFF086;
	s6 =	sadd.s32 @!p0 s3, s7;
	s7 =	simm.s32 @!p0 $0x108  }
0x21: {  	s3 =	sadd.s32 s3, s9;
	s6 =	sadd.s32 @!p0 $0x88, s6;
	s7 =	simm.s32 @p2 $0x1082  }
0x22: {  	[simem:s7], [sflag:s8] =	dma.local @!p0 [hbm:s6], $0xF7A  }
0x23: {  	s9 =	sor.u32 $0xD0000000, s2;
	s6 =	simm.s32 $0x108;
	_ =	swait.ge @!p0 [sflag:s8], $0x0  }
0x24: {  	s3 =	sadd.s32 $0x88, s3;
	s6 =	simm.s32 @!p1 $0x1082;
	[sflag:s4] =	ssyncset.s32 $0xFFFFF086  }
0x25: {  	[simem:s6], [sflag:s4] =	dma.local [hbm:s3], $0xF7A  }
0x26: {  	[smem:$0x3F9D] =	sst s1;
	(tag) =	ssettag s2;
	_ =	strace s9  }
0x27: {  	s1 =	sld [smem:$0x3FAD]  }
0x28: {  	s2 =	sld [smem:$0x3FAE]  }
0x29: {  	s4 =	sld [smem:$0x3FB0]  }
0x2a: {  	p0 =	seq.s32 s5, $0x0;
	s5 =	sld [smem:$0x3FB1]  }
0x2b: {  	s6 =	sld [smem:$0x3FB2]  }
0x2c: {  	s7 =	sld [smem:$0x3FB3]  }
0x2d: {  	s3 =	simm.s32 $0x108;
	s8 =	sld [smem:$0x3FB4]  }
0x2e: {  	s3 =	simm.s32 @!p0 $0x1082;
	s9 =	sld [smem:$0x3FB5]  }
0x2f: {  	lr =	sadd.s32 s0, s3;
	s0 =	sld [smem:$0x3FAC]  }
0x30: {  	s3 =	sld [smem:$0x3FAF]  }
0x31: {  	[smem:$0x3FB8] =	sst s10  }
0x32: {  	s10 =	sld [smem:$0x3FB6];
	_ =	sdelay $0x3  }
0x33: {  	p0 =	seq.s32 s10, $0x1;
	s10 =	sld [smem:$0x3FB8];
	_ =	sdelay $0x3  }
0x34: {  	[smem:$0x3FB8] =	sst s10  }
0x35: {  	s10 =	sld [smem:$0x3FB7];
	_ =	sdelay $0x3  }
0x36: {  	p1 =	seq.s32 s10, $0x1;
	s10 =	sld [smem:$0x3FB8];
	_ =	sdelay $0x3  }
0x37: {  	[smem:$0x3FB8] =	sst s10  }
0x38: {  	s10 =	sld [smem:$0x3FB9]  }
0x39: {  	_ = 	snop;
	(pc) =	sbr.ind lr, $3  }
0x3a: {  	_ = 	snop  }
0x3b: {  	_ = 	snop  }
0x3c: {  	p2 =	seq.s32 s10, $0x1;
	s10 =	sld [smem:$0x3FB8]  }
0x3d: {  	_ =	shalt  }
0x3e: {  	_ =	shalt  }
0x3f: {  	_ =	shalt  }
0x40: {  	_ =	shalt  }
0x41: {  	_ =	shalt  }
0x42: {  	_ =	shalt  }
0x43: {  	_ =	shalt  }
0x44: {  	_ =	shalt  }
0x45: {  	_ =	shalt  }
0x46: {  	_ =	shalt  }
0x47: {  	_ =	shalt  }
0x48: {  	_ =	shalt  }
0x49: {  	_ =	shalt  }
0x4a: {  	_ =	shalt  }
0x4b: {  	_ =	shalt  }
0x4c: {  	_ =	shalt  }
0x4d: {  	_ =	shalt  }
0x4e: {  	_ =	shalt  }
0x4f: {  	_ =	shalt  }
0x50: {  	_ =	shalt  }
0x51: {  	_ =	shalt  }
0x52: {  	_ =	shalt  }
0x53: {  	_ =	shalt  }
0x54: {  	_ =	shalt  }
0x55: {  	_ =	shalt  }
0x56: {  	_ =	shalt  }
0x57: {  	_ =	shalt  }
0x58: {  	_ =	shalt  }
0x59: {  	_ =	shalt  }
0x5a: {  	_ =	shalt  }
0x5b: {  	_ =	shalt  }
0x5c: {  	_ =	shalt  }
0x5d: {  	_ =	shalt  }
0x5e: {  	_ =	shalt  }
0x5f: {  	_ =	shalt  }
0x60: {  	_ =	shalt  }
0x61: {  	_ =	shalt  }
0x62: {  	_ =	shalt  }
0x63: {  	_ =	shalt  }
0x64: {  	_ =	shalt  }
0x65: {  	_ =	shalt  }
0x66: {  	_ =	shalt  }
0x67: {  	_ =	shalt  }
0x68: {  	_ =	shalt  }
0x69: {  	_ =	shalt  }
0x6a: {  	_ =	shalt  }
0x6b: {  	_ =	shalt  }
0x6c: {  	_ =	shalt  }
0x6d: {  	_ =	shalt  }
0x6e: {  	_ =	shalt  }
0x6f: {  	_ =	shalt  }
0x70: {  	_ =	shalt  }
0x71: {  	_ =	shalt  }
0x72: {  	_ =	shalt  }
0x73: {  	_ =	shalt  }
0x74: {  	_ =	shalt  }
0x75: {  	_ =	shalt  }
0x76: {  	_ =	shalt  }
0x77: {  	_ =	shalt  }
0x78: {  	_ =	shalt  }
0x79: {  	_ =	shalt  }
0x7a: {  	_ =	shalt  }
0x7b: {  	_ =	shalt  }
0x7c: {  	_ =	shalt  }
0x7d: {  	_ =	shalt  }
0x7e: {  	_ =	shalt  }
0x7f: {  	_ =	shalt  }
0x80: {  	_ =	shalt  }
0x81: {  	_ =	shalt  }
0x82: {  	_ =	shalt  }
0x83: {  	_ =	shalt  }
0x84: {  	_ =	shalt  }
0x85: {  	_ =	shalt  }
0x86: {  	_ =	shalt  }
0x87: {  	_ =	shalt  }
.Lfunc_end0:
.L_simem_size_0:
called_computation_lowered:
.L_overlay_start_0:
0x88: {  	s2 =	sld [smem:$0x3FD9]  }
0x89: {  	s3 =	sld [smem:$0x3FFE];
	_ =	sdelay $0x1  }
0x8a: {  	s1 =	srdreg.scid  }
0x8b: {  	s0 =	sand.u32 $0x1, s1  }
0x8c: {  	s16 =	sshll.u32 s0, $0xA;
	s2 =	sadd.s32 s3, s2  }
0x8d: {  	s2 =	sadd.s32 s2, s16  }
0x8e: {  	[smem:$0x3FC4] =	sst s2  }
0x8f: {  	_ = 	snop  }
0x90: {  	(tm) =	ssettm $0x1  }
0x91: {  	s17 =	sld [smem:$0x3FFB];
	_ =	sdelay $0x3  }
0x92: {  	_ =	strace s17  }
0x93: {  	s2 =	sld [smem:$0x3FFC];
	_ =	sdelay $0x3  }
0x94: {  	_ =	strace s2  }
0x95: {  	s2 =	sld [smem:$0x3FFD];
	_ =	sdelay $0x3  }
0x96: {  	_ =	strace s2  }
0x97: {  	_ =	strace $0x8FFFFFFF  }
0x98: {  	s18 =	sld [smem:$0x3FDB];
	_ =	sdelay $0x1  }
0x99: {  	s19 =	simm.s32 $_scs_section_size  }
0x9a: {  	s4 =	simm.s32 $_size__tile_overlayer_lowered;
	s5 =	simm.s32 $_tile_overlayer_lowered  }
0x9b: {  	s22 =	simm.s32 $0x1BFF;
	s21 =	sshll.u32 s5, $0x1;
	s2 =	sadd.s32 s19, s18  }
0x9c: {  	s6 =	simm.s32 $0x0;
	s20 =	sshll.u32 s4, $0x1;
	s4 =	sadd.s32 s21, s2  }
0x9d: {  	[timem:s6], [sflag:s22] =	dma.local [hbm:s4], s20  }
0x9e: {  	_ =	swait.ge [sflag:s22], s20  }
0x9f: {  	s3 =	ssub.s32 $0x0, s20;
	[sflag:s22] =	ssyncset.done $0x0  }
0xa0: {  	[sflag:s22] =	ssyncadd.s32 s3;
	_ =	sdelay $0x1  }
0xa1: {  	s23 =	simm.s32 $0x1B8B  }
0xa2: {  	_ =	swait.ge [sflag:s23], $0x1  }
0xa3: {  	[sflag:s23] =	ssyncset.done $0x0  }
0xa4: {  	s25 =	simm.s32 $0x1B8E;
	s24 =	sld [smem:$0x3FFE];
	[sflag:s23] =	ssyncadd.s32 $0xFFFFFFFF  }
0xa5: {  	s26 =	simm.s32 $execute0_lowered;
	[smem:$0x3FD2] =	sst s25  }
0xa6: {  	s4 =	sshll.u32 s26, $0x1;
	_ =	strace $0x80000046;
	[dreg:$0x1] =	wrdreg $0xFFFFFFFF  }
0xa7: {  	s28 =	simm.s32 $_size_execute0_lowered;
	s2 =	sadd.s32 s2, s4;
	[dreg:$0x0] =	wrdreg $0x0  }
0xa8: {  	s4 =	sshll.u32 s28, $0x1;
	[dreg:$0x2] =	wrdreg s2  }
0xa9: {  	[dreg:$0x3] =	wrdreg s4  }
0xaa: {  	[dreg:$0x4] =	wrdreg $0xC0  }
0xab: {  	_ =	task [dreg:s6], $0x5FFFF  }
0xac: {  	[dreg:$0x1] =	wrdreg $0xFFFFFFFF  }
0xad: {  	[dreg:$0x0] =	wrdreg $0x60  }
0xae: {  	[dreg:$0x2] =	wrdreg s24  }
0xaf: {  	[dreg:$0x3] =	wrdreg $0x9  }
0xb0: {  	_ =	task.clear_ibuf [dreg:s6], $0x4FFFF;
	_ =	strace $0x90000046  }
0xb1: {  	s29 =	simm.s32 $0x9;
	_ =	strace $0x80000048  }
0xb2: {  	_ =	swait.ge [sflag:s29], $0x1  }
0xb3: {  	[sflag:s29] =	ssyncadd.s32 $0xFFFFFFFF  }
0xb4: {  	_ =	strace $0x90000048  }
0xb5: {  	_ =	sfence  }
0xb6: {  	s30 =	sld [smem:$0x0];
	_ =	sdelay $0x2  }
0xb7: {  	s31 =	sshll.u32 s1, $0xD;
	s1 =	sshrl.u32 s1, $0x2  }
0xb8: {  	s3 =	sand.u32 $0x4000, s31;
	s1 =	sadd.s32 s1, s30  }
0xb9: {  	s0 =	sor.u32 s3, s0;
	s1 =	sshll.u32 s1, $0x11  }
0xba: {  	s0 =	sor.u32 s1, s0  }
0xbb: {  	s0 =	sadd.s32 $0x8F2B, s0  }
0xbc: {  	[sflag:s0] =	ssyncadd.remote.s32 $0x1  }
0xbd: {  	_ =	sfence.sel $0xFFFF  }
0xbe: {  	[dreg:$0x0] =	wrdreg $0xFFFFFFFF;
	(pc) =	sbr.abs _section_cstart, $3  }
0xbf: {  	[dreg:$0x1] =	wrdreg $0xFFFFFFFF  }
0xc0: {  	_ =	task.clear_ibuf [dreg:s6], $0x2FFFF;
	_ =	strace $0x9FFFFFFF  }
0xc1: {  	(tm) =	ssettm $0x7FFFFFFF  }
tec
execute0_lowered:
.L_overlay_start_1:
0x0: {  	(tag) =	ssettag $0x1  }
0x1: {  	s0 =	srdreg.scid  }
0x2: {  	s2 =	stileid.u32;
	s1 =	rddreg [dreg:$0x0]  }
0x3: {  	s7 =	simm.s32 $0x5;
	s8 =	simm.s32 $0x60;
	s10 =	simm.s32 $0x68  }
0x4: {  	s13 =	simm.s32 $0x9600;
	s14 =	simm.s32 $0x128;
	s15 =	simm.s32 $0xAE00  }
0x5: {  	s16 =	simm.s32 $0x190;
	s17 =	simm.s32 $0xC800;
	s18 =	simm.s32 $0x1F0  }
0x6: {  	s19 =	simm.s32 $0xE000;
	s20 =	simm.s32 $0x258;
	s21 =	simm.s32 $0xFA00  }
0x7: {  	s22 =	simm.s32 $0x2B8;
	s23 =	simm.s32 $0x11200;
	s24 =	simm.s32 $0x1  }
0x8: {  	s25 =	simm.s32 $0x2;
	s26 =	simm.s32 $0x3;
	s28 =	simm.s32 $0x4  }
0x9: {  	s29 =	simm.s32 $0x12C00;
	s30 =	simm.s32 $0x0;
	s0 =	sand.u32 $0x1, s0  }
0xa: {  	s3 =	sshll.u32 s2, $0x8;
	s2 =	simm.s32 $0x0;
	s4 =	sshll.u32 s0, $0x7  }
.Ltmp0:
0xb: {  	[smem:$0x7FF] =	sst s2;
	s3 =	sor.u32 s4, s3;
	(pc) =	sbr.rel .LBB2_1-.Ltmp0, $4  }
0xc: {  	s0 =	ssub.s32 $0x2, s0;
	_ =	strace $0x80000047;
	s4 =	smul.u32 $0x19, s3  }
0xd: {  	s31 =	sshrl.u32 s0, $0x1;
	s5 =	sshll.u32 s3, $0x3;
	s3 =	sadd.s32 $0xF42E00, s1  }
0xe: {  	s0 =	ssub.s32 s0, s31;
	s4 =	sadd.s32 s4, s1;
	s1 =	sadd.s32 s5, s1  }
0xf: {  	s6 =	smax.u32 s0, $0x1;
	s4 =	sadd.s32 $0xA00, s4;
	s5 =	sadd.s32 $0x19A00, s1  }
.LBB2_12:
0x10: {  	s30 =	sadd.s32 $0x1, s30  }
0x11: {  	p0 =	sne.s32 s30, s6  }
.Ltmp1:
0x12: {  	_ = 	snop;
	(pc) =	sbr.rel @!p0 .LBB2_13-.Ltmp1, $4  }
0x13: {  	[hbm4b:s5+s2] =	stream.linear.scatter [tilespmem:s29], [sflag:$0x5], $0x2000, $0x38;
	[tilespmem:$0x14C00] =	vst v63  }
0x14: {  	_ =	swait.ge [sflag:s7], $0x2000  }
0x15: {  	[sflag:s7] =	ssyncset.done $0x0  }
0x16: {  	[sflag:s7] =	ssyncadd.s32 $0xFFFFE000  }
.LBB2_1:
0x17: {  	[tilespmem:s2], [sflag:$0x5] =	stream.linear.gather [hbm4b:s4+s2], $0x6400, $0x38;
	[tilespmem:$0x14C00] =	vst v63  }
0x18: {  	_ =	swait.ge [sflag:s7], $0x6400  }
0x19: {  	[sflag:s7] =	ssyncset.done $0x0  }
0x1a: {  	s0 =	simm.s32 $0x6400;
	[sflag:s7] =	ssyncadd.s32 $0xFFFF9C00  }
0x1b: {  	[tilespmem:s0], [sflag:$0x1] =	stream.indirect.gather [hbm4b:s3+s8], $0x40, s2, s8, $0xb8;
	[tilespmem:$0x14C00] =	vst v63  }
0x1c: {  	s11 =	simm.s32 $0x7C00  }
0x1d: {  	[tilespmem:s11], [sflag:$0x1] =	stream.indirect.gather [hbm4b:s3+s10], $0x40, s8, s10, $0xb8;
	[tilespmem:$0x14C00] =	vst v63  }
0x1e: {  	s12 =	simm.s32 $0xC8  }
0x1f: {  	[tilespmem:s13], [sflag:$0x2] =	stream.indirect.gather [hbm4b:s3+s8], $0x40, s12, s8, $0xb8;
	[tilespmem:$0x14C00] =	vst v63  }
0x20: {  	_ = 	snop  }
0x21: {  	[tilespmem:s15], [sflag:$0x2] =	stream.indirect.gather [hbm4b:s3+s10], $0x40, s14, s10, $0xb8;
	[tilespmem:$0x14C00] =	vst v63  }
0x22: {  	_ = 	snop  }
0x23: {  	[tilespmem:s17], [sflag:$0x3] =	stream.indirect.gather [hbm4b:s3+s8], $0x40, s16, s8, $0xb8;
	[tilespmem:$0x14C00] =	vst v63  }
0x24: {  	_ = 	snop  }
0x25: {  	[tilespmem:s19], [sflag:$0x3] =	stream.indirect.gather [hbm4b:s3+s10], $0x40, s18, s10, $0xb8;
	[tilespmem:$0x14C00] =	vst v63  }
0x26: {  	_ = 	snop  }
0x27: {  	[tilespmem:s21], [sflag:$0x4] =	stream.indirect.gather [hbm4b:s3+s8], $0x40, s20, s8, $0xb8;
	[tilespmem:$0x14C00] =	vst v63  }
0x28: {  	s31 =	simm.s32 $0x0  }
0x29: {  	[tilespmem:s23], [sflag:$0x4] =	stream.indirect.gather [hbm4b:s3+s10], $0x40, s22, s10, $0xb8;
	[tilespmem:$0x14C00] =	vst v63  }
.LBB2_2:
0x2a: {  	_ =	swait.ge [sflag:s24], $0x1800  }
0x2b: {  	[sflag:s24] =	ssyncset.done $0x0  }
0x2c: {  	[sflag:s24] =	ssyncadd.s32 $0xFFFFE800  }
0x2d: {  	_ =	swait.ge [sflag:s24], $0x1A00  }
0x2e: {  	[sflag:s24] =	ssyncset.done $0x0  }
0x2f: {  	s1 =	simm.s32 $0x6500;
	[sflag:s24] =	ssyncadd.s32 $0xFFFFE600  }
0x30: {  	v0 =	vld [tilespmem:s1+$0xC0]  }
0x31: {  	v1 =	vld [tilespmem:s1+$0xD0]  }
0x32: {  	v2 =	vld [tilespmem:s1+$0x80]  }
0x33: {  	v3 =	vld [tilespmem:s1+$0x90]  }
0x34: {  	v9 =	vld [tilespmem:s1+$0x40]  }
0x35: {  	v12 =	vld [tilespmem:s1+$0x50]  }
0x36: {  	v5 =	vld [tilespmem:s1+$0x0]  }
0x37: {  	v8 =	vld [tilespmem:s1+$0x10]  }
0x38: {  	v6 =	vld [tilespmem:s1+$0xFFFFFFC0]  }
0x39: {  	v7 =	vld [tilespmem:s1+$0xFFFFFFD0]  }
0x3a: {  	v4 =	vld [tilespmem:s1+$0xFFFFFF80]  }
0x3b: {  	v10 =	vld [tilespmem:s1+$0xFFFFFF90]  }
0x3c: {  	v11 =	vld [tilespmem:s1+$0xFFFFFF40]  }
0x3d: {  	v13 =	vld [tilespmem:s1+$0xFFFFFF50]  }
0x3e: {  	v14 =	vld [tilespmem:s1+$0xFFFFFF00]  }
0x3f: {  	v15 =	vld [tilespmem:s1+$0xFFFFFF10]  }
0x40: {  	v16 =	vld [tilespmem:s1+$0xFFFFFF20]  }
0x41: {  	v17 =	vld [tilespmem:s1+$0xFFFFFF30]  }
0x42: {  	v18 =	vld [tilespmem:s1+$0xFFFFFF60]  }
0x43: {  	v19 =	vld [tilespmem:s1+$0xFFFFFF70]  }
0x44: {  	v20 =	vimm.f32 $0.0e+00;
	v21 =	vld [tilespmem:s1+$0xFFFFFFA0]  }
0x45: {  	v22 =	vld [tilespmem:s1+$0xFFFFFFB0];
	v14 =	vadd.f32 v14, v20;
	v15 =	vadd.f32 v15, v20  }
0x46: {  	v59 =	vld [tilespmem:s1+$0xFFFFFFE0];
	v16 =	vadd.f32 v16, v20;
	v17 =	vadd.f32 v17, v20  }
0x47: {  	v11 =	vadd.f32 v11, v14;
	v13 =	vadd.f32 v13, v15;
	v14 =	vld [tilespmem:s1+$0xFFFFFFF0]  }
0x48: {  	v61 =	vld [tilespmem:s1+$0x20];
	v15 =	vadd.f32 v18, v16;
	v60 =	vadd.f32 v19, v17  }
0x49: {  	v11 =	vadd.f32 v4, v11;
	v10 =	vadd.f32 v10, v13;
	v13 =	vld [tilespmem:s1+$0x30]  }
0x4a: {  	v15 =	vadd.f32 v21, v15;
	v16 =	vadd.f32 v22, v60;
	v4 =	vld [tilespmem:s1+$0x60]  }
0x4b: {  	v11 =	vadd.f32 v6, v11;
	v10 =	vadd.f32 v7, v10;
	v7 =	vld [tilespmem:s1+$0x70]  }
0x4c: {  	v15 =	vadd.f32 v59, v15;
	v6 =	vld [tilespmem:s1+$0xA0];
	v14 =	vadd.f32 v14, v16  }
0x4d: {  	v62 =	vadd.f32 v5, v11;
	v63 =	vadd.f32 v8, v10;
	v8 =	vld [tilespmem:s1+$0xB0]  }
0x4e: {  	v11 =	vadd.f32 v61, v15;
	v5 =	vld [tilespmem:s1+$0xE0];
	v10 =	vadd.f32 v13, v14  }
0x4f: {  	s0 =	simm.s32 $0x0;
	v13 =	vadd.f32 v9, v62;
	v12 =	vadd.f32 v12, v63;
	v9 =	vld [tilespmem:s1+$0xF0];
	s1 =	simm.s32 $0x6700  }
.LBB2_3:
0x50: {  	v14 =	vld [tilespmem:s1+$0xC0];
	v4 =	vadd.f32 v4, v11;
	v7 =	vadd.f32 v7, v10  }
0x51: {  	v10 =	vld [tilespmem:s1+$0xD0];
	v11 =	vadd.f32 v2, v13;
	v12 =	vadd.f32 v3, v12  }
0x52: {  	v2 =	vld [tilespmem:s1+$0x80];
	v4 =	vadd.f32 v6, v4;
	v6 =	vadd.f32 v8, v7  }
0x53: {  	v3 =	vld [tilespmem:s1+$0x90];
	v7 =	vadd.f32 v0, v11;
	v8 =	vadd.f32 v1, v12  }
0x54: {  	v12 =	vld [tilespmem:s1+$0x40];
	v4 =	vadd.f32 v5, v4;
	v5 =	vadd.f32 v9, v6  }
0x55: {  	v9 =	vld [tilespmem:s1+$0x50];
	v0 =	vmov v14  }
0x56: {  	v11 =	vld [tilespmem:s1+$0x0];
	v1 =	vmov v10  }
0x57: {  	v10 =	vld [tilespmem:s1+$0x10]  }
0x58: {  	v6 =	vld [tilespmem:s1+$0xFFFFFFC0]  }
0x59: {  	v13 =	vld [tilespmem:s1+$0xFFFFFFD0]  }
0x5a: {  	v14 =	vld [tilespmem:s1+$0xFFFFFF80]  }
0x5b: {  	v15 =	vld [tilespmem:s1+$0xFFFFFF90]  }
0x5c: {  	v16 =	vld [tilespmem:s1+$0xFFFFFF40]  }
0x5d: {  	v17 =	vld [tilespmem:s1+$0xFFFFFF50]  }
0x5e: {  	v18 =	vld [tilespmem:s1+$0xFFFFFF00]  }
0x5f: {  	v19 =	vld [tilespmem:s1+$0xFFFFFF10]  }
0x60: {  	v20 =	vld [tilespmem:s1+$0xFFFFFF20]  }
0x61: {  	s0 =	sadd.s32 $0x8, s0;
	v21 =	vld [tilespmem:s1+$0xFFFFFF30]  }
0x62: {  	p0 =	slt.u32 s0, $0xC0;
	v22 =	vld [tilespmem:s1+$0xFFFFFF60]  }
0x63: {  	v23 =	vld [tilespmem:s1+$0xFFFFFF70]  }
0x64: {  	v24 =	vld [tilespmem:s1+$0xFFFFFFA0]  }
0x65: {  	v7 =	vadd.f32 v18, v7;
	v8 =	vadd.f32 v19, v8;
	v18 =	vld [tilespmem:s1+$0xFFFFFFB0]  }
0x66: {  	v4 =	vadd.f32 v20, v4;
	v5 =	vadd.f32 v21, v5;
	v19 =	vld [tilespmem:s1+$0xFFFFFFE0]  }
0x67: {  	v7 =	vadd.f32 v16, v7;
	v8 =	vadd.f32 v17, v8;
	v16 =	vld [tilespmem:s1+$0xFFFFFFF0]  }
0x68: {  	v4 =	vadd.f32 v22, v4;
	v5 =	vadd.f32 v23, v5;
	v17 =	vld [tilespmem:s1+$0x20]  }
0x69: {  	v7 =	vadd.f32 v14, v7;
	v8 =	vadd.f32 v15, v8;
	v14 =	vld [tilespmem:s1+$0x30]  }
0x6a: {  	v15 =	vadd.f32 v24, v4;
	v5 =	vadd.f32 v18, v5;
	v4 =	vld [tilespmem:s1+$0x60]  }
.Ltmp2:
0x6b: {  	v18 =	vadd.f32 v6, v7;
	v8 =	vadd.f32 v13, v8;
	v7 =	vld [tilespmem:s1+$0x70];
	(pc) =	sbr.rel @p0 .LBB2_3-.Ltmp2, $4  }
0x6c: {  	v13 =	vadd.f32 v19, v15;
	v5 =	vadd.f32 v16, v5;
	v6 =	vld [tilespmem:s1+$0xA0]  }
0x6d: {  	v15 =	vadd.f32 v11, v18;
	v16 =	vadd.f32 v10, v8;
	v8 =	vld [tilespmem:s1+$0xB0]  }
0x6e: {  	v11 =	vadd.f32 v17, v13;
	v10 =	vadd.f32 v14, v5;
	v5 =	vld [tilespmem:s1+$0xE0]  }
0x6f: {  	v13 =	vadd.f32 v12, v15;
	v12 =	vadd.f32 v9, v16;
	v9 =	vld [tilespmem:s1+$0xF0];
	s1 =	sadd.s32 $0x200, s1  }
0x70: {  	_ = 	snop  }
0x71: {  	v4 =	vadd.f32 v4, v11;
	v2 =	vadd.f32 v2, v13  }
0x72: {  	v7 =	vadd.f32 v7, v10;
	v3 =	vadd.f32 v3, v12  }
0x73: {  	s0 =	sshll.u32 s31, $0x8;
	v4 =	vadd.f32 v6, v4;
	v0 =	vadd.f32 v0, v2  }
0x74: {  	p0 =	seq.s32 s31, $0x1F;
	s1 =	sand.u32 $0x3FFFFF00, s0;
	v2 =	vadd.f32 v8, v7;
	v1 =	vadd.f32 v1, v3  }
0x75: {  	s0 =	smul.u32 @!p0 $0xC80, s31;
	v3 =	vadd.f32 v5, v4;
	[tilespmem:s1+$0x12C00] =	vst v0  }
0x76: {  	v0 =	vadd.f32 v9, v2;
	[tilespmem:s1+$0x12C10] =	vst v1  }
0x77: {  	s0 =	sshra.s32 @!p0 s0, $0x2;
	[tilespmem:s1+$0x12C20] =	vst v3  }
0x78: {  	s11 =	simm.s32 @!p0 $0x60;
	s12 =	simm.s32 @!p0 $0x6400;
	s9 =	sadd.s32 @!p0 $0x320, s0;
	[tilespmem:s1+$0x12C30] =	vst v0  }
0x79: {  	[tilespmem:s12], [sflag:$0x1] =	stream.indirect.gather @!p0 [hbm4b:s3+s11], $0x40, s9, s11, $0xb8;
	[tilespmem:$0x14C00] =	vst v63  }
0x7a: {  	s9 =	sadd.s32 @!p0 $0x380, s0;
	s11 =	simm.s32 @!p0 $0x68;
	s12 =	simm.s32 @!p0 $0x7C00  }
0x7b: {  	[tilespmem:s12], [sflag:$0x1] =	stream.indirect.gather @!p0 [hbm4b:s3+s11], $0x40, s9, s11, $0xb8;
	[tilespmem:$0x14C00] =	vst v63  }
0x7c: {  	_ =	swait.ge [sflag:s25], $0x1800  }
0x7d: {  	[sflag:s25] =	ssyncset.done $0x0  }
0x7e: {  	[sflag:s25] =	ssyncadd.s32 $0xFFFFE800  }
0x7f: {  	_ =	swait.ge [sflag:s25], $0x1A00  }
0x80: {  	[sflag:s25] =	ssyncset.done $0x0  }
0x81: {  	s12 =	simm.s32 $0x97F0;
	[sflag:s25] =	ssyncadd.s32 $0xFFFFE600  }
0x82: {  	v0 =	vld [tilespmem:s12+$0xFFFFFFD0]  }
0x83: {  	v1 =	vld [tilespmem:s12+$0xFFFFFFE0]  }
0x84: {  	v2 =	vld [tilespmem:s12+$0xFFFFFF90]  }
0x85: {  	v3 =	vld [tilespmem:s12+$0xFFFFFFA0]  }
0x86: {  	v9 =	vld [tilespmem:s12+$0xFFFFFF50]  }
0x87: {  	v12 =	vld [tilespmem:s12+$0xFFFFFF60]  }
0x88: {  	v7 =	vld [tilespmem:s12+$0xFFFFFF10]  }
0x89: {  	v8 =	vld [tilespmem:s12+$0xFFFFFF20]  }
0x8a: {  	v5 =	vld [tilespmem:s12+$0xFFFFFED0]  }
0x8b: {  	v6 =	vld [tilespmem:s12+$0xFFFFFEE0]  }
0x8c: {  	v4 =	vld [tilespmem:s12+$0xFFFFFE90]  }
0x8d: {  	v10 =	vld [tilespmem:s12+$0xFFFFFEA0]  }
0x8e: {  	v11 =	vld [tilespmem:s12+$0xFFFFFE50]  }
0x8f: {  	v13 =	vld [tilespmem:s12+$0xFFFFFE60]  }
0x90: {  	v14 =	vld [tilespmem:s12+$0xFFFFFE10]  }
0x91: {  	v15 =	vld [tilespmem:s12+$0xFFFFFE20]  }
0x92: {  	v16 =	vld [tilespmem:s12+$0xFFFFFE30]  }
0x93: {  	v17 =	vld [tilespmem:s12+$0xFFFFFE40]  }
0x94: {  	v18 =	vld [tilespmem:s12+$0xFFFFFE70]  }
0x95: {  	v19 =	vld [tilespmem:s12+$0xFFFFFE80]  }
0x96: {  	v20 =	vimm.f32 $0.0e+00;
	v21 =	vld [tilespmem:s12+$0xFFFFFEB0]  }
0x97: {  	v22 =	vld [tilespmem:s12+$0xFFFFFEC0];
	v14 =	vadd.f32 v14, v20;
	v15 =	vadd.f32 v15, v20  }
0x98: {  	v59 =	vld [tilespmem:s12+$0xFFFFFEF0];
	v16 =	vadd.f32 v16, v20;
	v17 =	vadd.f32 v17, v20  }
0x99: {  	v11 =	vadd.f32 v11, v14;
	v13 =	vadd.f32 v13, v15;
	v14 =	vld [tilespmem:s12+$0xFFFFFF00]  }
0x9a: {  	v61 =	vld [tilespmem:s12+$0xFFFFFF30];
	v15 =	vadd.f32 v18, v16;
	v60 =	vadd.f32 v19, v17  }
0x9b: {  	v11 =	vadd.f32 v4, v11;
	v10 =	vadd.f32 v10, v13;
	v13 =	vld [tilespmem:s12+$0xFFFFFF40]  }
0x9c: {  	v15 =	vadd.f32 v21, v15;
	v16 =	vadd.f32 v22, v60;
	v4 =	vld [tilespmem:s12+$0xFFFFFF70]  }
0x9d: {  	v11 =	vadd.f32 v5, v11;
	v10 =	vadd.f32 v6, v10;
	v6 =	vld [tilespmem:s12+$0xFFFFFF80]  }
0x9e: {  	v15 =	vadd.f32 v59, v15;
	v5 =	vld [tilespmem:s12+$0xFFFFFFB0];
	v14 =	vadd.f32 v14, v16  }
0x9f: {  	v62 =	vadd.f32 v7, v11;
	v63 =	vadd.f32 v8, v10;
	v8 =	vld [tilespmem:s12+$0xFFFFFFC0]  }
0xa0: {  	v11 =	vadd.f32 v61, v15;
	v7 =	vld [tilespmem:s12+$0xFFFFFFF0];
	v10 =	vadd.f32 v13, v14  }
0xa1: {  	s9 =	simm.s32 $0x0;
	s11 =	simm.s32 $0x99F0;
	v13 =	vadd.f32 v9, v62;
	v12 =	vadd.f32 v12, v63;
	v9 =	vld [tilespmem:s12+$0x0]  }
.LBB2_5:
0xa2: {  	v14 =	vld [tilespmem:s11+$0xFFFFFFD0];
	v4 =	vadd.f32 v4, v11;
	v6 =	vadd.f32 v6, v10  }
0xa3: {  	v10 =	vld [tilespmem:s11+$0xFFFFFFE0];
	v11 =	vadd.f32 v2, v13;
	v12 =	vadd.f32 v3, v12  }
0xa4: {  	v2 =	vld [tilespmem:s11+$0xFFFFFF90];
	v4 =	vadd.f32 v5, v4;
	v5 =	vadd.f32 v8, v6  }
0xa5: {  	v3 =	vld [tilespmem:s11+$0xFFFFFFA0];
	v6 =	vadd.f32 v0, v11;
	v8 =	vadd.f32 v1, v12  }
0xa6: {  	v12 =	vld [tilespmem:s11+$0xFFFFFF50];
	v4 =	vadd.f32 v7, v4;
	v5 =	vadd.f32 v9, v5  }
0xa7: {  	v9 =	vld [tilespmem:s11+$0xFFFFFF60];
	v0 =	vmov v14  }
0xa8: {  	v7 =	vld [tilespmem:s11+$0xFFFFFF10];
	v1 =	vmov v10  }
0xa9: {  	v10 =	vld [tilespmem:s11+$0xFFFFFF20]  }
0xaa: {  	v11 =	vld [tilespmem:s11+$0xFFFFFED0]  }
0xab: {  	v13 =	vld [tilespmem:s11+$0xFFFFFEE0]  }
0xac: {  	v14 =	vld [tilespmem:s11+$0xFFFFFE90]  }
0xad: {  	v15 =	vld [tilespmem:s11+$0xFFFFFEA0]  }
0xae: {  	v16 =	vld [tilespmem:s11+$0xFFFFFE50]  }
0xaf: {  	v17 =	vld [tilespmem:s11+$0xFFFFFE60]  }
0xb0: {  	v18 =	vld [tilespmem:s11+$0xFFFFFE10]  }
0xb1: {  	v19 =	vld [tilespmem:s11+$0xFFFFFE20]  }
0xb2: {  	v20 =	vld [tilespmem:s11+$0xFFFFFE30]  }
0xb3: {  	s9 =	sadd.s32 $0x8, s9;
	v21 =	vld [tilespmem:s11+$0xFFFFFE40]  }
0xb4: {  	p1 =	slt.u32 s9, $0xC0;
	v22 =	vld [tilespmem:s11+$0xFFFFFE70]  }
0xb5: {  	v23 =	vld [tilespmem:s11+$0xFFFFFE80]  }
0xb6: {  	v24 =	vld [tilespmem:s11+$0xFFFFFEB0]  }
0xb7: {  	v6 =	vadd.f32 v18, v6;
	v8 =	vadd.f32 v19, v8;
	v18 =	vld [tilespmem:s11+$0xFFFFFEC0]  }
0xb8: {  	v4 =	vadd.f32 v20, v4;
	v5 =	vadd.f32 v21, v5;
	v19 =	vld [tilespmem:s11+$0xFFFFFEF0]  }
0xb9: {  	v6 =	vadd.f32 v16, v6;
	v8 =	vadd.f32 v17, v8;
	v16 =	vld [tilespmem:s11+$0xFFFFFF00]  }
0xba: {  	v4 =	vadd.f32 v22, v4;
	v5 =	vadd.f32 v23, v5;
	v17 =	vld [tilespmem:s11+$0xFFFFFF30]  }
0xbb: {  	v6 =	vadd.f32 v14, v6;
	v8 =	vadd.f32 v15, v8;
	v14 =	vld [tilespmem:s11+$0xFFFFFF40]  }
0xbc: {  	v15 =	vadd.f32 v24, v4;
	v5 =	vadd.f32 v18, v5;
	v4 =	vld [tilespmem:s11+$0xFFFFFF70]  }
.Ltmp3:
0xbd: {  	v11 =	vadd.f32 v11, v6;
	v8 =	vadd.f32 v13, v8;
	v6 =	vld [tilespmem:s11+$0xFFFFFF80];
	(pc) =	sbr.rel @p1 .LBB2_5-.Ltmp3, $4  }
0xbe: {  	v13 =	vadd.f32 v19, v15;
	v15 =	vadd.f32 v16, v5;
	v5 =	vld [tilespmem:s11+$0xFFFFFFB0]  }
0xbf: {  	v16 =	vadd.f32 v7, v11;
	v18 =	vadd.f32 v10, v8;
	v8 =	vld [tilespmem:s11+$0xFFFFFFC0]  }
0xc0: {  	v11 =	vadd.f32 v17, v13;
	v10 =	vadd.f32 v14, v15;
	v7 =	vld [tilespmem:s11+$0xFFFFFFF0]  }
0xc1: {  	v13 =	vadd.f32 v12, v16;
	v12 =	vadd.f32 v9, v18;
	v9 =	vld [tilespmem:s11+$0x0];
	s11 =	sadd.s32 $0x200, s11  }
0xc2: {  	_ = 	snop  }
0xc3: {  	v4 =	vadd.f32 v4, v11;
	v2 =	vadd.f32 v2, v13  }
0xc4: {  	v6 =	vadd.f32 v6, v10;
	v3 =	vadd.f32 v3, v12  }
0xc5: {  	v4 =	vadd.f32 v5, v4;
	v0 =	vadd.f32 v0, v2  }
0xc6: {  	v2 =	vadd.f32 v8, v6;
	v1 =	vadd.f32 v1, v3  }
0xc7: {  	v3 =	vadd.f32 v7, v4;
	[tilespmem:s1+$0x12C40] =	vst v0  }
0xc8: {  	v0 =	vadd.f32 v9, v2;
	[tilespmem:s1+$0x12C50] =	vst v1  }
0xc9: {  	[tilespmem:s1+$0x12C60] =	vst v3  }
0xca: {  	s9 =	sadd.s32 @!p0 $0x3E8, s0;
	s11 =	simm.s32 @!p0 $0x60;
	s12 =	simm.s32 @!p0 $0x9600;
	[tilespmem:s1+$0x12C70] =	vst v0  }
0xcb: {  	[tilespmem:s12], [sflag:$0x2] =	stream.indirect.gather @!p0 [hbm4b:s3+s11], $0x40, s9, s11, $0xb8;
	[tilespmem:$0x14C00] =	vst v63  }
0xcc: {  	s9 =	sadd.s32 @!p0 $0x448, s0;
	s11 =	simm.s32 @!p0 $0x68;
	s12 =	simm.s32 @!p0 $0xAE00  }
0xcd: {  	[tilespmem:s12], [sflag:$0x2] =	stream.indirect.gather @!p0 [hbm4b:s3+s11], $0x40, s9, s11, $0xb8;
	[tilespmem:$0x14C00] =	vst v63  }
0xce: {  	_ =	swait.ge [sflag:s26], $0x1800  }
0xcf: {  	[sflag:s26] =	ssyncset.done $0x0  }
0xd0: {  	[sflag:s26] =	ssyncadd.s32 $0xFFFFE800  }
0xd1: {  	_ =	swait.ge [sflag:s26], $0x1A00  }
0xd2: {  	[sflag:s26] =	ssyncset.done $0x0  }
0xd3: {  	s12 =	simm.s32 $0xC800;
	[sflag:s26] =	ssyncadd.s32 $0xFFFFE600  }
0xd4: {  	v0 =	vld [tilespmem:s12+$0x1C0]  }
0xd5: {  	v1 =	vld [tilespmem:s12+$0x1D0]  }
0xd6: {  	v2 =	vld [tilespmem:s12+$0x180]  }
0xd7: {  	v3 =	vld [tilespmem:s12+$0x190]  }
0xd8: {  	v9 =	vld [tilespmem:s12+$0x140]  }
0xd9: {  	v12 =	vld [tilespmem:s12+$0x150]  }
0xda: {  	v7 =	vld [tilespmem:s12+$0x100]  }
0xdb: {  	v8 =	vld [tilespmem:s12+$0x110]  }
0xdc: {  	v5 =	vld [tilespmem:s12+$0xC0]  }
0xdd: {  	v6 =	vld [tilespmem:s12+$0xD0]  }
0xde: {  	v4 =	vld [tilespmem:s12+$0x80]  }
0xdf: {  	v10 =	vld [tilespmem:s12+$0x90]  }
0xe0: {  	v11 =	vld [tilespmem:s12+$0x40]  }
0xe1: {  	v13 =	vld [tilespmem:s12+$0x50]  }
0xe2: {  	v14 =	vld [tilespmem:s12+$0x0]  }
0xe3: {  	v15 =	vld [tilespmem:s12+$0x10]  }
0xe4: {  	v16 =	vld [tilespmem:s12+$0x20]  }
0xe5: {  	v17 =	vld [tilespmem:s12+$0x30]  }
0xe6: {  	v18 =	vld [tilespmem:s12+$0x60]  }
0xe7: {  	v19 =	vld [tilespmem:s12+$0x70]  }
0xe8: {  	v20 =	vimm.f32 $0.0e+00;
	v21 =	vld [tilespmem:s12+$0xA0]  }
0xe9: {  	v22 =	vld [tilespmem:s12+$0xB0];
	v14 =	vadd.f32 v14, v20;
	v15 =	vadd.f32 v15, v20  }
0xea: {  	v59 =	vld [tilespmem:s12+$0xE0];
	v16 =	vadd.f32 v16, v20;
	v17 =	vadd.f32 v17, v20  }
0xeb: {  	v11 =	vadd.f32 v11, v14;
	v13 =	vadd.f32 v13, v15;
	v14 =	vld [tilespmem:s12+$0xF0]  }
0xec: {  	v61 =	vld [tilespmem:s12+$0x120];
	v15 =	vadd.f32 v18, v16;
	v60 =	vadd.f32 v19, v17  }
0xed: {  	v11 =	vadd.f32 v4, v11;
	v10 =	vadd.f32 v10, v13;
	v13 =	vld [tilespmem:s12+$0x130]  }
0xee: {  	v15 =	vadd.f32 v21, v15;
	v16 =	vadd.f32 v22, v60;
	v4 =	vld [tilespmem:s12+$0x160]  }
0xef: {  	v11 =	vadd.f32 v5, v11;
	v10 =	vadd.f32 v6, v10;
	v6 =	vld [tilespmem:s12+$0x170]  }
0xf0: {  	v15 =	vadd.f32 v59, v15;
	v5 =	vld [tilespmem:s12+$0x1A0];
	v14 =	vadd.f32 v14, v16  }
0xf1: {  	v62 =	vadd.f32 v7, v11;
	v63 =	vadd.f32 v8, v10;
	v8 =	vld [tilespmem:s12+$0x1B0]  }
0xf2: {  	v11 =	vadd.f32 v61, v15;
	v7 =	vld [tilespmem:s12+$0x1E0];
	v10 =	vadd.f32 v13, v14  }
0xf3: {  	s9 =	simm.s32 $0x0;
	s11 =	simm.s32 $0xCA00;
	v13 =	vadd.f32 v9, v62;
	v12 =	vadd.f32 v12, v63;
	v9 =	vld [tilespmem:s12+$0x1F0]  }
.LBB2_7:
0xf4: {  	v14 =	vld [tilespmem:s11+$0x1C0];
	v4 =	vadd.f32 v4, v11;
	v6 =	vadd.f32 v6, v10  }
0xf5: {  	v10 =	vld [tilespmem:s11+$0x1D0];
	v11 =	vadd.f32 v2, v13;
	v12 =	vadd.f32 v3, v12  }
0xf6: {  	v2 =	vld [tilespmem:s11+$0x180];
	v4 =	vadd.f32 v5, v4;
	v5 =	vadd.f32 v8, v6  }
0xf7: {  	v3 =	vld [tilespmem:s11+$0x190];
	v6 =	vadd.f32 v0, v11;
	v8 =	vadd.f32 v1, v12  }
0xf8: {  	v12 =	vld [tilespmem:s11+$0x140];
	v4 =	vadd.f32 v7, v4;
	v5 =	vadd.f32 v9, v5  }
0xf9: {  	v9 =	vld [tilespmem:s11+$0x150];
	v0 =	vmov v14  }
0xfa: {  	v7 =	vld [tilespmem:s11+$0x100];
	v1 =	vmov v10  }
0xfb: {  	v10 =	vld [tilespmem:s11+$0x110]  }
0xfc: {  	v11 =	vld [tilespmem:s11+$0xC0]  }
0xfd: {  	v13 =	vld [tilespmem:s11+$0xD0]  }
0xfe: {  	v14 =	vld [tilespmem:s11+$0x80]  }
0xff: {  	v15 =	vld [tilespmem:s11+$0x90]  }
0x100: {  	v16 =	vld [tilespmem:s11+$0x40]  }
0x101: {  	v17 =	vld [tilespmem:s11+$0x50]  }
0x102: {  	v18 =	vld [tilespmem:s11+$0x0]  }
0x103: {  	v19 =	vld [tilespmem:s11+$0x10]  }
0x104: {  	v20 =	vld [tilespmem:s11+$0x20]  }
0x105: {  	s9 =	sadd.s32 $0x8, s9;
	v21 =	vld [tilespmem:s11+$0x30]  }
0x106: {  	p1 =	slt.u32 s9, $0xC0;
	v22 =	vld [tilespmem:s11+$0x60]  }
0x107: {  	v23 =	vld [tilespmem:s11+$0x70]  }
0x108: {  	v24 =	vld [tilespmem:s11+$0xA0]  }
0x109: {  	v6 =	vadd.f32 v18, v6;
	v8 =	vadd.f32 v19, v8;
	v18 =	vld [tilespmem:s11+$0xB0]  }
0x10a: {  	v4 =	vadd.f32 v20, v4;
	v5 =	vadd.f32 v21, v5;
	v19 =	vld [tilespmem:s11+$0xE0]  }
0x10b: {  	v6 =	vadd.f32 v16, v6;
	v8 =	vadd.f32 v17, v8;
	v16 =	vld [tilespmem:s11+$0xF0]  }
0x10c: {  	v4 =	vadd.f32 v22, v4;
	v5 =	vadd.f32 v23, v5;
	v17 =	vld [tilespmem:s11+$0x120]  }
0x10d: {  	v6 =	vadd.f32 v14, v6;
	v8 =	vadd.f32 v15, v8;
	v14 =	vld [tilespmem:s11+$0x130]  }
0x10e: {  	v15 =	vadd.f32 v24, v4;
	v5 =	vadd.f32 v18, v5;
	v4 =	vld [tilespmem:s11+$0x160]  }
.Ltmp4:
0x10f: {  	v11 =	vadd.f32 v11, v6;
	v8 =	vadd.f32 v13, v8;
	v6 =	vld [tilespmem:s11+$0x170];
	(pc) =	sbr.rel @p1 .LBB2_7-.Ltmp4, $4  }
0x110: {  	v13 =	vadd.f32 v19, v15;
	v15 =	vadd.f32 v16, v5;
	v5 =	vld [tilespmem:s11+$0x1A0]  }
0x111: {  	v16 =	vadd.f32 v7, v11;
	v18 =	vadd.f32 v10, v8;
	v8 =	vld [tilespmem:s11+$0x1B0]  }
0x112: {  	v11 =	vadd.f32 v17, v13;
	v10 =	vadd.f32 v14, v15;
	v7 =	vld [tilespmem:s11+$0x1E0]  }
0x113: {  	v13 =	vadd.f32 v12, v16;
	v12 =	vadd.f32 v9, v18;
	v9 =	vld [tilespmem:s11+$0x1F0];
	s11 =	sadd.s32 $0x200, s11  }
0x114: {  	_ = 	snop  }
0x115: {  	v4 =	vadd.f32 v4, v11;
	v2 =	vadd.f32 v2, v13  }
0x116: {  	v6 =	vadd.f32 v6, v10;
	v3 =	vadd.f32 v3, v12  }
0x117: {  	v4 =	vadd.f32 v5, v4;
	v0 =	vadd.f32 v0, v2  }
0x118: {  	v2 =	vadd.f32 v8, v6;
	v1 =	vadd.f32 v1, v3  }
0x119: {  	v3 =	vadd.f32 v7, v4;
	[tilespmem:s1+$0x12C80] =	vst v0  }
0x11a: {  	v0 =	vadd.f32 v9, v2;
	[tilespmem:s1+$0x12C90] =	vst v1  }
0x11b: {  	[tilespmem:s1+$0x12CA0] =	vst v3  }
0x11c: {  	s9 =	sadd.s32 @!p0 $0x4B0, s0;
	s11 =	simm.s32 @!p0 $0x60;
	s12 =	simm.s32 @!p0 $0xC800;
	[tilespmem:s1+$0x12CB0] =	vst v0  }
0x11d: {  	[tilespmem:s12], [sflag:$0x3] =	stream.indirect.gather @!p0 [hbm4b:s3+s11], $0x40, s9, s11, $0xb8;
	[tilespmem:$0x14C00] =	vst v63  }
0x11e: {  	s0 =	sadd.s32 @!p0 $0x510, s0;
	s9 =	simm.s32 @!p0 $0x68;
	s11 =	simm.s32 @!p0 $0xE000  }
0x11f: {  	[tilespmem:s11], [sflag:$0x3] =	stream.indirect.gather @!p0 [hbm4b:s3+s9], $0x40, s0, s9, $0xb8;
	[tilespmem:$0x14C00] =	vst v63  }
0x120: {  	_ =	swait.ge [sflag:s28], $0x1800  }
0x121: {  	[sflag:s28] =	ssyncset.done $0x0  }
0x122: {  	[sflag:s28] =	ssyncadd.s32 $0xFFFFE800  }
0x123: {  	_ =	swait.ge [sflag:s28], $0x1A00  }
0x124: {  	[sflag:s28] =	ssyncset.done $0x0  }
0x125: {  	s12 =	simm.s32 $0xFA00;
	[sflag:s28] =	ssyncadd.s32 $0xFFFFE600  }
0x126: {  	v0 =	vld [tilespmem:s12+$0x1C0]  }
0x127: {  	v1 =	vld [tilespmem:s12+$0x1D0]  }
0x128: {  	v2 =	vld [tilespmem:s12+$0x180]  }
0x129: {  	v3 =	vld [tilespmem:s12+$0x190]  }
0x12a: {  	v9 =	vld [tilespmem:s12+$0x140]  }
0x12b: {  	v12 =	vld [tilespmem:s12+$0x150]  }
0x12c: {  	v7 =	vld [tilespmem:s12+$0x100]  }
0x12d: {  	v8 =	vld [tilespmem:s12+$0x110]  }
0x12e: {  	v5 =	vld [tilespmem:s12+$0xC0]  }
0x12f: {  	v6 =	vld [tilespmem:s12+$0xD0]  }
0x130: {  	v4 =	vld [tilespmem:s12+$0x80]  }
0x131: {  	v10 =	vld [tilespmem:s12+$0x90]  }
0x132: {  	v11 =	vld [tilespmem:s12+$0x40]  }
0x133: {  	v13 =	vld [tilespmem:s12+$0x50]  }
0x134: {  	v14 =	vld [tilespmem:s12+$0x0]  }
0x135: {  	v15 =	vld [tilespmem:s12+$0x10]  }
0x136: {  	v16 =	vld [tilespmem:s12+$0x20]  }
0x137: {  	v17 =	vld [tilespmem:s12+$0x30]  }
0x138: {  	v18 =	vld [tilespmem:s12+$0x60]  }
0x139: {  	v19 =	vld [tilespmem:s12+$0x70]  }
0x13a: {  	v20 =	vimm.f32 $0.0e+00;
	v21 =	vld [tilespmem:s12+$0xA0]  }
0x13b: {  	v22 =	vld [tilespmem:s12+$0xB0];
	v14 =	vadd.f32 v14, v20;
	v15 =	vadd.f32 v15, v20  }
0x13c: {  	v59 =	vld [tilespmem:s12+$0xE0];
	v16 =	vadd.f32 v16, v20;
	v17 =	vadd.f32 v17, v20  }
0x13d: {  	v11 =	vadd.f32 v11, v14;
	v13 =	vadd.f32 v13, v15;
	v14 =	vld [tilespmem:s12+$0xF0]  }
0x13e: {  	v61 =	vld [tilespmem:s12+$0x120];
	v15 =	vadd.f32 v18, v16;
	v60 =	vadd.f32 v19, v17  }
0x13f: {  	v11 =	vadd.f32 v4, v11;
	v10 =	vadd.f32 v10, v13;
	v13 =	vld [tilespmem:s12+$0x130]  }
0x140: {  	v15 =	vadd.f32 v21, v15;
	v16 =	vadd.f32 v22, v60;
	v4 =	vld [tilespmem:s12+$0x160]  }
0x141: {  	v11 =	vadd.f32 v5, v11;
	v10 =	vadd.f32 v6, v10;
	v6 =	vld [tilespmem:s12+$0x170]  }
0x142: {  	v15 =	vadd.f32 v59, v15;
	v5 =	vld [tilespmem:s12+$0x1A0];
	v14 =	vadd.f32 v14, v16  }
0x143: {  	v62 =	vadd.f32 v7, v11;
	v63 =	vadd.f32 v8, v10;
	v8 =	vld [tilespmem:s12+$0x1B0]  }
0x144: {  	v11 =	vadd.f32 v61, v15;
	v7 =	vld [tilespmem:s12+$0x1E0];
	v10 =	vadd.f32 v13, v14  }
0x145: {  	s0 =	simm.s32 $0x0;
	s9 =	simm.s32 $0xFC00;
	v13 =	vadd.f32 v9, v62;
	v12 =	vadd.f32 v12, v63;
	v9 =	vld [tilespmem:s12+$0x1F0]  }
.LBB2_9:
0x146: {  	v14 =	vld [tilespmem:s9+$0x1C0];
	v4 =	vadd.f32 v4, v11;
	v6 =	vadd.f32 v6, v10  }
0x147: {  	v10 =	vld [tilespmem:s9+$0x1D0];
	v11 =	vadd.f32 v2, v13;
	v12 =	vadd.f32 v3, v12  }
0x148: {  	v2 =	vld [tilespmem:s9+$0x180];
	v4 =	vadd.f32 v5, v4;
	v5 =	vadd.f32 v8, v6  }
0x149: {  	v3 =	vld [tilespmem:s9+$0x190];
	v6 =	vadd.f32 v0, v11;
	v8 =	vadd.f32 v1, v12  }
0x14a: {  	v12 =	vld [tilespmem:s9+$0x140];
	v4 =	vadd.f32 v7, v4;
	v5 =	vadd.f32 v9, v5  }
0x14b: {  	v9 =	vld [tilespmem:s9+$0x150];
	v0 =	vmov v14  }
0x14c: {  	v7 =	vld [tilespmem:s9+$0x100];
	v1 =	vmov v10  }
0x14d: {  	v10 =	vld [tilespmem:s9+$0x110]  }
0x14e: {  	v11 =	vld [tilespmem:s9+$0xC0]  }
0x14f: {  	v13 =	vld [tilespmem:s9+$0xD0]  }
0x150: {  	v14 =	vld [tilespmem:s9+$0x80]  }
0x151: {  	v15 =	vld [tilespmem:s9+$0x90]  }
0x152: {  	v16 =	vld [tilespmem:s9+$0x40]  }
0x153: {  	v17 =	vld [tilespmem:s9+$0x50]  }
0x154: {  	v18 =	vld [tilespmem:s9+$0x0]  }
0x155: {  	v19 =	vld [tilespmem:s9+$0x10]  }
0x156: {  	v20 =	vld [tilespmem:s9+$0x20]  }
0x157: {  	s0 =	sadd.s32 $0x8, s0;
	v21 =	vld [tilespmem:s9+$0x30]  }
0x158: {  	p1 =	slt.u32 s0, $0xC0;
	v22 =	vld [tilespmem:s9+$0x60]  }
0x159: {  	v23 =	vld [tilespmem:s9+$0x70]  }
0x15a: {  	v24 =	vld [tilespmem:s9+$0xA0]  }
0x15b: {  	v6 =	vadd.f32 v18, v6;
	v8 =	vadd.f32 v19, v8;
	v18 =	vld [tilespmem:s9+$0xB0]  }
0x15c: {  	v4 =	vadd.f32 v20, v4;
	v5 =	vadd.f32 v21, v5;
	v19 =	vld [tilespmem:s9+$0xE0]  }
0x15d: {  	v6 =	vadd.f32 v16, v6;
	v8 =	vadd.f32 v17, v8;
	v16 =	vld [tilespmem:s9+$0xF0]  }
0x15e: {  	v4 =	vadd.f32 v22, v4;
	v5 =	vadd.f32 v23, v5;
	v17 =	vld [tilespmem:s9+$0x120]  }
0x15f: {  	v6 =	vadd.f32 v14, v6;
	v8 =	vadd.f32 v15, v8;
	v14 =	vld [tilespmem:s9+$0x130]  }
0x160: {  	v15 =	vadd.f32 v24, v4;
	v5 =	vadd.f32 v18, v5;
	v4 =	vld [tilespmem:s9+$0x160]  }
.Ltmp5:
0x161: {  	v11 =	vadd.f32 v11, v6;
	v8 =	vadd.f32 v13, v8;
	v6 =	vld [tilespmem:s9+$0x170];
	(pc) =	sbr.rel @p1 .LBB2_9-.Ltmp5, $4  }
0x162: {  	v13 =	vadd.f32 v19, v15;
	v15 =	vadd.f32 v16, v5;
	v5 =	vld [tilespmem:s9+$0x1A0]  }
0x163: {  	v16 =	vadd.f32 v7, v11;
	v18 =	vadd.f32 v10, v8;
	v8 =	vld [tilespmem:s9+$0x1B0]  }
0x164: {  	v11 =	vadd.f32 v17, v13;
	v10 =	vadd.f32 v14, v15;
	v7 =	vld [tilespmem:s9+$0x1E0]  }
0x165: {  	v13 =	vadd.f32 v12, v16;
	v12 =	vadd.f32 v9, v18;
	v9 =	vld [tilespmem:s9+$0x1F0];
	s9 =	sadd.s32 $0x200, s9  }
0x166: {  	_ = 	snop  }
0x167: {  	v4 =	vadd.f32 v4, v11;
	v2 =	vadd.f32 v2, v13  }
0x168: {  	v6 =	vadd.f32 v6, v10;
	v3 =	vadd.f32 v3, v12  }
0x169: {  	v4 =	vadd.f32 v5, v4;
	v0 =	vadd.f32 v0, v2  }
.Ltmp6:
0x16a: {  	v61 =	vadd.f32 v8, v6;
	v1 =	vadd.f32 v1, v3;
	(pc) =	sbr.rel @p0 .LBB2_12-.Ltmp6, $4  }
0x16b: {  	v62 =	vadd.f32 v7, v4;
	[tilespmem:s1+$0x12CC0] =	vst v0  }
0x16c: {  	v63 =	vadd.f32 v9, v61;
	[tilespmem:s1+$0x12CD0] =	vst v1  }
0x16d: {  	[tilespmem:s1+$0x12CE0] =	vst v62  }
0x16e: {  	[tilespmem:s1+$0x12CF0] =	vst v63  }
0x16f: {  	s0 =	smul.u32 $0xC80, s31;
	_ =	sdelay $0x1  }
.Ltmp7:
0x170: {  	s0 =	sshra.s32 s0, $0x2;
	(pc) =	sbr.rel .LBB2_2-.Ltmp7, $4  }
0x171: {  	s1 =	sadd.s32 $0x578, s0  }
0x172: {  	[tilespmem:s21], [sflag:$0x4] =	stream.indirect.gather [hbm4b:s3+s8], $0x40, s1, s8, $0xb8;
	[tilespmem:$0x14C00] =	vst v63  }
0x173: {  	s31 =	sadd.s32 $0x1, s31;
	s0 =	sadd.s32 $0x5D8, s0  }
0x174: {  	[tilespmem:s23], [sflag:$0x4] =	stream.indirect.gather [hbm4b:s3+s10], $0x40, s0, s10, $0xb8;
	[tilespmem:$0x14C00] =	vst v63  }
.LBB2_13:
0x175: {  	_ =	sfence.sel $0x180000  }
0x176: {  	[bflag:$0x0] =	sbarrier.arrive $0xFFFF  }
0x177: {  	_ =	strace $0x90000047  }
0x178: {  	s0 =	stileid.u32;
	[bflag:$0x2] =	sbarrier.arrive $0xFFFF  }
0x179: {  	p0 =	sne.s32 s0, $0x0;
	s0 =	rddreg [dreg:$0x1]  }
0x17a: {  	s0 =	sadd.s32 @!p0 $0x100000, s0  }
0x17b: {  	[sflag:s0] =	ssyncadd.tile.s32 @!p0 $0x1;
	_ =	shalt  }
.Lfunc_end2:
_tile_overlayer_lowered:
.L_overlay_start_2:
0x17c: {  	(tag) =	ssettag $0x2  }
0x17d: {  	s0 =	rddreg [dreg:$0x0];
	s2 =	stileid.u32  }
0x17e: {  	s1 =	rddreg [dreg:$0x1];
	p0 =	sne.s32 s2, $0x0  }
0x17f: {  	s3 =	rddreg [dreg:$0x2];
	[bflag:$0x3] =	sbarrier.arrive $0xFFFF;
	s2 =	simm.s32 @!p0 $0x1C05  }
0x180: {  	[timem:s3], [sflag:s2] =	dma.local @!p0 [hbm:s0], s1  }
0x181: {  	s0 =	simm.s32 @!p0 $0x5  }
0x182: {  	_ =	swait.ge @!p0 [sflag:s0], s1  }
0x183: {  	s1 =	ssub.s32 @!p0 $0x0, s1;
	[sflag:s0] =	ssyncset.done @!p0 $0x0  }
0x184: {  	[sflag:s0] =	ssyncadd.s32 @!p0 s1  }
0x185: {  	[bflag:$0x3] =	sbarrier.arrive $0xFFFF  }
0x186: {  	_ =	shalt  }

</sc_bundles>
